<compile_context>
chip_gen: v7x
topology: tpu7x:2x2x1
jax: 0.10.2.dev20260603
libtpu: 0.0.44.dev20260713+nightly
codegen_flags: <defaults>
</compile_context>

<pallas_src>
import functools

import jax
import jax.numpy as jnp
from jax import lax
from jax.experimental import pallas as pl
from jax.experimental.pallas import tpu as pltpu
from jax.experimental.pallas import tpu_sc as plsc

B = 8
CIN = 8
L = 4096
T1 = 2048
T2 = 1024
C1 = 32
ENC = 256
K = 1024
G3 = 3 * ENC

def _mm_bf16(a, b):
    return lax.dot_general(a.astype(jnp.bfloat16), b.astype(jnp.bfloat16),
                           (((1,), (0,)), ((), ())),
                           preferred_element_type=jnp.float32)



def _conv1_kernel(a_ref, w_ref, b_ref, o_ref):
    o_ref[...] = jnp.maximum(
        _mm_bf16(a_ref[...], w_ref[...]) + b_ref[...], 0.0
    ).astype(jnp.bfloat16)


def _conv1(a1, w1, b1):
    return pl.pallas_call(
        _conv1_kernel,
        out_shape=jax.ShapeDtypeStruct((B * T1, C1), jnp.bfloat16),
    )(a1, w1, b1)



VQ_ROWS = 2048


def _vq_kernel(a_ref, w_ref, b_ref, cbt_ref, codes_ref):
    z = jnp.maximum(_mm_bf16(a_ref[...], w_ref[...]) + b_ref[...], 0.0)
    dots = _mm_bf16(z, cbt_ref[...])
    cnorm = jnp.sum(cbt_ref[...] * cbt_ref[...], axis=0)
    lnorm = jnp.sum(z * z, axis=1, keepdims=True)
    dist = (lnorm + cnorm[None, :]) - 2.0 * dots
    m = jnp.min(dist, axis=1, keepdims=True)
    iota = lax.broadcasted_iota(jnp.int32, dist.shape, 1)
    codes = jnp.min(jnp.where(dist == m, iota, K), axis=1)
    codes_ref[0, 0, :] = codes.astype(jnp.int32)


def _vq(a2, w2, b2, cbt):
    nblk = (B * T2) // VQ_ROWS
    codes3 = pl.pallas_call(
        _vq_kernel,
        grid=(nblk,),
        in_specs=[
            pl.BlockSpec((VQ_ROWS, 5 * C1), lambda i: (i, 0)),
            pl.BlockSpec((5 * C1, ENC), lambda i: (0, 0)),
            pl.BlockSpec((1, ENC), lambda i: (0, 0)),
            pl.BlockSpec((ENC, K), lambda i: (0, 0)),
        ],
        out_specs=pl.BlockSpec((1, 1, VQ_ROWS), lambda i: (i, 0, 0)),
        out_shape=jax.ShapeDtypeStruct((nblk, 1, VQ_ROWS), jnp.int32),
    )(a2, w2, b2, cbt)
    return codes3.reshape(B * T2)



def _sc_gather(table, idx):
    info = plsc.get_sparse_core_info()
    nc, ns = info.num_cores, info.num_subcores
    nw = nc * ns
    n = idx.shape[0]
    b_per_w = n // nw
    mesh = plsc.VectorSubcoreMesh(core_axis_name="c", subcore_axis_name="s")

    h = b_per_w // 2

    @functools.partial(
        pl.kernel, mesh=mesh,
        out_type=jax.ShapeDtypeStruct((n, ENC), jnp.float32),
        scratch_types=[
            pltpu.VMEM((h,), jnp.int32),
            pltpu.VMEM((h,), jnp.int32),
            pltpu.VMEM((h, ENC), jnp.float32),
            pltpu.VMEM((h, ENC), jnp.float32),
            pltpu.SemaphoreType.DMA,
            pltpu.SemaphoreType.DMA,
            pltpu.SemaphoreType.DMA,
            pltpu.SemaphoreType.DMA,
        ],
    )
    def gather_k(table_hbm, idx_hbm, out_hbm,
                 idx0, idx1, r0, r1, s0, s1, o0, o1):
        wid = lax.axis_index("s") * nc + lax.axis_index("c")
        base = wid * b_per_w
        pltpu.sync_copy(idx_hbm.at[pl.ds(base, h)], idx0)
        pltpu.sync_copy(idx_hbm.at[pl.ds(base + h, h)], idx1)
        c0 = pltpu.async_copy(table_hbm.at[idx0], r0, s0)
        c1 = pltpu.async_copy(table_hbm.at[idx1], r1, s1)
        c0.wait()
        w0 = pltpu.async_copy(r0, out_hbm.at[pl.ds(base, h)], o0)
        c1.wait()
        w1 = pltpu.async_copy(r1, out_hbm.at[pl.ds(base + h, h)], o1)
        w0.wait()
        w1.wait()

    return gather_k(table, idx)



CH = 256


def _gru_kernel(q_ref, wih_ref, bih_ref, whh_ref, bhh_ref, pw_ref, pb_ref,
                pred_ref, ha_ref, gx_ref, ctx_ref):
    @pl.when(pl.program_id(0) == 0)
    def _():
        ha_ref[...] = jnp.zeros_like(ha_ref)

    gx_ref[...] = _mm_bf16(q_ref[...], wih_ref[...]) + bih_ref[...]

    def gates(gx, gh, h):
        r = jax.nn.sigmoid(gx[:, :ENC] + gh[:, :ENC])
        zt = jax.nn.sigmoid(gx[:, ENC:2 * ENC] + gh[:, ENC:2 * ENC])
        n = jnp.tanh(gx[:, 2 * ENC:] + r * gh[:, 2 * ENC:])
        return (1.0 - zt) * n + zt * h

    def body(t, _):
        base = t * B
        h = ha_ref[...]
        gh = _mm_bf16(h, whh_ref[...]) + bhh_ref[...]
        hn = gates(gx_ref[pl.ds(base, B), :], gh, h)
        ha_ref[...] = hn
        ctx_ref[pl.ds(base, B), :] = hn
        return 0

    lax.fori_loop(0, CH, body, 0, unroll=4)
    pred_ref[...] = _mm_bf16(ctx_ref[...], pw_ref[...]) + pb_ref[...]


def _gru(q_tm, wih, bih, whh, bhh, pw, pb):
    nblk = T2 // CH
    rows = CH * B
    return pl.pallas_call(
        _gru_kernel,
        grid=(nblk,),
        in_specs=[
            pl.BlockSpec((rows, ENC), lambda i: (i, 0)),
            pl.BlockSpec((ENC, G3), lambda i: (0, 0)),
            pl.BlockSpec((1, G3), lambda i: (0, 0)),
            pl.BlockSpec((ENC, G3), lambda i: (0, 0)),
            pl.BlockSpec((1, G3), lambda i: (0, 0)),
            pl.BlockSpec((ENC, ENC), lambda i: (0, 0)),
            pl.BlockSpec((1, ENC), lambda i: (0, 0)),
        ],
        out_specs=pl.BlockSpec((rows, ENC), lambda i: (i, 0)),
        out_shape=jax.ShapeDtypeStruct((B * T2, ENC), jnp.float32),
        scratch_shapes=[
            pltpu.VMEM((B, ENC), jnp.float32),
            pltpu.VMEM((rows, G3), jnp.float32),
            pltpu.VMEM((rows, ENC), jnp.float32),
        ],
    )(q_tm, wih, bih, whh, bhh, pw, pb)



def kernel(x, conv1_w, conv1_b, conv2_w, conv2_b, codebook,
           gru_w_ih, gru_w_hh, gru_b_ih, gru_b_hh, proj_w, proj_b):
    x_pad = jnp.pad(x.astype(jnp.bfloat16), ((0, 0), (0, 0), (2, 2)))
    a1 = jnp.stack([x_pad[:, :, k:k + 2 * T1:2] for k in range(5)], axis=-1)
    a1 = a1.transpose(0, 2, 1, 3).reshape(B * T1, CIN * 5)
    w1 = conv1_w.transpose(1, 2, 0).reshape(CIN * 5, C1)
    z1 = _conv1(a1, w1, conv1_b.reshape(1, C1)).reshape(B, T1, C1)

    z1p = jnp.pad(z1, ((0, 0), (2, 2), (0, 0)))
    a2 = jnp.stack([z1p[:, k:k + 2 * T2:2, :] for k in range(5)], axis=2)
    a2 = a2.reshape(B * T2, 5 * C1)
    w2 = conv2_w.transpose(2, 1, 0).reshape(5 * C1, ENC)

    codes = _vq(a2, w2, conv2_b.reshape(1, ENC), codebook.T)
    codes_bt = codes.reshape(B, T2)

    idx_tm = codes_bt.T.reshape(-1)
    quant_tm = _sc_gather(codebook, idx_tm)
    quant_z = quant_tm.reshape(T2, B, ENC).transpose(1, 0, 2)

    bf = jnp.bfloat16
    pred_tm = _gru(quant_tm, gru_w_ih.T.astype(bf), gru_b_ih.reshape(1, G3),
                   gru_w_hh.T.astype(bf), gru_b_hh.reshape(1, G3),
                   proj_w.T.astype(bf), proj_b.reshape(1, ENC))
    pred = pred_tm.reshape(T2, B, ENC).transpose(1, 0, 2)

    return quant_z, pred, codes_bt

# --- scband reference (transcript-rebuilt; emitter-appended) ---
"""Pipeline reference for scband-vqwav2-vec-model-69664369541327 (READ-ONLY COPY).

The authoritative reference and input builder live on the scoring server;
editing this copy changes nothing except your own understanding.
"""

import jax, jax.numpy as jnp
import numpy as np

B, C, L = 8, 8, 4096
ENC_DIM = 256
K = 1024
CODE_DIM = 256


def conv1d(x, w, b, stride, padding):
    out = jax.lax.conv_general_dilated(
        x, w, window_strides=(stride,), padding=[(padding, padding)],
        dimension_numbers=('NCH', 'OIH', 'NCH'))
    return out + b[None, :, None]


def setup_inputs(seed: int = 0) -> dict:
    key = jax.random.key(seed)
    ks = jax.random.split(key, 12)
    x = jax.random.normal(ks[0], (B, C, L), dtype=jnp.float32)
    conv1_w = jax.random.normal(ks[1], (32, C, 5), dtype=jnp.float32) * np.float32(1.0 / np.sqrt(C * 5))
    conv1_b = jnp.zeros((32,), dtype=jnp.float32)
    conv2_w = jax.random.normal(ks[2], (ENC_DIM, 32, 5), dtype=jnp.float32) * np.float32(1.0 / np.sqrt(32 * 5))
    conv2_b = jnp.zeros((ENC_DIM,), dtype=jnp.float32)
    codebook = jax.random.uniform(ks[3], (K, CODE_DIM), dtype=jnp.float32, minval=-0.1, maxval=0.1)
    s = 1.0 / np.sqrt(ENC_DIM)
    gru_w_ih = jax.random.uniform(ks[4], (3 * ENC_DIM, CODE_DIM), dtype=jnp.float32, minval=-s, maxval=s)
    gru_w_hh = jax.random.uniform(ks[5], (3 * ENC_DIM, ENC_DIM), dtype=jnp.float32, minval=-s, maxval=s)
    gru_b_ih = jax.random.uniform(ks[6], (3 * ENC_DIM,), dtype=jnp.float32, minval=-s, maxval=s)
    gru_b_hh = jax.random.uniform(ks[7], (3 * ENC_DIM,), dtype=jnp.float32, minval=-s, maxval=s)
    proj_w = jax.random.uniform(ks[8], (CODE_DIM, ENC_DIM), dtype=jnp.float32, minval=-s, maxval=s)
    proj_b = jnp.zeros((CODE_DIM,), dtype=jnp.float32)
    return {
        'x': x,
        'conv1_w': conv1_w, 'conv1_b': conv1_b,
        'conv2_w': conv2_w, 'conv2_b': conv2_b,
        'codebook': codebook,
        'gru_w_ih': gru_w_ih, 'gru_w_hh': gru_w_hh,
        'gru_b_ih': gru_b_ih, 'gru_b_hh': gru_b_hh,
        'proj_w': proj_w, 'proj_b': proj_b,
    }


def reference(x, conv1_w, conv1_b, conv2_w, conv2_b, codebook,
              gru_w_ih, gru_w_hh, gru_b_ih, gru_b_hh, proj_w, proj_b):
    # Encoder
    z = jax.nn.relu(conv1d(x, conv1_w, conv1_b, 2, 2))
    z = jax.nn.relu(conv1d(z, conv2_w, conv2_b, 2, 2))
    z = jnp.transpose(z, (0, 2, 1))  # [B, T, D]
    Bq, T, D = z.shape
    # Quantize (nearest codebook entry, straight-through)
    flat = z.reshape(Bq * T, D)
    latent_norm = jnp.sum(flat ** 2, axis=1, keepdims=True)
    code_norm = jnp.sum(codebook ** 2, axis=1)
    dot = flat @ codebook.T
    dist = latent_norm + code_norm[None, :] - 2.0 * dot
    indices = jnp.argmin(dist, axis=1)
    codes = indices.reshape(Bq, T)
    quantized = jnp.take(codebook, codes, axis=0)
    quant_z = z + jax.lax.stop_gradient(quantized - z)
    # GRU context network (PyTorch gate order: r, z, n)
    H = gru_w_hh.shape[1]

    def step(h, x_t):
        gx = x_t @ gru_w_ih.T + gru_b_ih
        gh = h @ gru_w_hh.T + gru_b_hh
        r = jax.nn.sigmoid(gx[:, :H] + gh[:, :H])
        zt = jax.nn.sigmoid(gx[:, H:2 * H] + gh[:, H:2 * H])
        n = jnp.tanh(gx[:, 2 * H:] + r * gh[:, 2 * H:])
        h_new = (1.0 - zt) * n + zt * h
        return h_new, h_new

    h0 = jnp.zeros((Bq, H), dtype=z.dtype)
    _, hs = jax.lax.scan(step, h0, jnp.transpose(quant_z, (1, 0, 2)))
    context = jnp.transpose(hs, (1, 0, 2))  # [B, T, H]
    pred = context @ proj_w.T + proj_b
    return quant_z, pred, codes

if __name__ == "__main__":
    import jax
    _d = setup_inputs()
    print(jax.jit(kernel)(*tuple(_d.values())))

</pallas_src>

<mosaic_0001>
#map = affine_map<(d0, d1) -> (0, 0)>
#map1 = affine_map<(d0, d1) -> (0)>
module attributes {stable_mosaic.version = 14 : i64} {
  func.func @gather_k(%arg0: i32, %arg1: i32, %arg2: memref<1024x256xf32, #tpu.memory_space<hbm>>, %arg3: memref<8192xi32, #tpu.memory_space<hbm>>, %arg4: memref<8192x256xf32, #tpu.memory_space<hbm>>, %arg5: memref<128xi32, #tpu.memory_space<vmem>>, %arg6: memref<128xi32, #tpu.memory_space<vmem>>, %arg7: memref<128x256xf32, #tpu.memory_space<vmem>>, %arg8: memref<128x256xf32, #tpu.memory_space<vmem>>, %arg9: memref<!tpu.dma_semaphore, #tpu.memory_space<semaphore_mem>>, %arg10: memref<!tpu.dma_semaphore, #tpu.memory_space<semaphore_mem>>, %arg11: memref<!tpu.dma_semaphore, #tpu.memory_space<semaphore_mem>>, %arg12: memref<!tpu.dma_semaphore, #tpu.memory_space<semaphore_mem>>) attributes {dimension_semantics = [#tpu.dimension_semantics<core_parallel>, #tpu.dimension_semantics<subcore_parallel>], iteration_bounds = array<i64: 2, 16>, scalar_prefetch = 0 : i64, scratch_operands = 8 : i64, tpu.core_type = #tpu.core_type<sc_vector_subcore>, window_params = [{transform_indices = #map}, {transform_indices = #map1}, {transform_indices = #map}]} {
    %mul3A = arith.constant 2 : i32
    %mul3A_0 = arith.muli %arg1, %mul3A : i32
    %add3A = arith.addi %mul3A_0, %arg0 : i32
    %mul3A_1 = arith.constant 256 : i32
    %mul3A_2 = arith.muli %add3A, %mul3A_1 : i32
    "tpu.region"() ({
      %run_scoped3A = tpu.sem_alloc : memref<!tpu.dma_semaphore, #tpu.memory_space<semaphore_mem>>
      %dma_start3A_33 = tpu.memref_slice %arg3[%mul3A_2] : memref<8192xi32, #tpu.memory_space<hbm>> -> memref<128xi32, #tpu.memory_space<hbm>>
      %dma_start3A_34 = tpu.memref_slice %arg3[%mul3A_2] : memref<8192xi32, #tpu.memory_space<hbm>> -> memref<128xi32, #tpu.memory_space<hbm>>
      tpu.enqueue_dma source(%dma_start3A_34 : memref<128xi32, #tpu.memory_space<hbm>>) target(%arg5 : memref<128xi32, #tpu.memory_space<vmem>>) target_semaphore(%run_scoped3A : memref<!tpu.dma_semaphore, #tpu.memory_space<semaphore_mem>>)
      %dma_wait3A_35 = tpu.memref_slice %arg3[%mul3A_2] : memref<8192xi32, #tpu.memory_space<hbm>> -> memref<128xi32, #tpu.memory_space<hbm>>
      %dma_wait3A_36 = tpu.memref_slice %arg3[%mul3A_2] : memref<8192xi32, #tpu.memory_space<hbm>> -> memref<128xi32, #tpu.memory_space<hbm>>
      tpu.wait_dma2 semaphore(%run_scoped3A : memref<!tpu.dma_semaphore, #tpu.memory_space<semaphore_mem>>) src(%dma_wait3A_36 : memref<128xi32, #tpu.memory_space<hbm>>) dst(%arg5 : memref<128xi32, #tpu.memory_space<vmem>>)
      tpu.yield
    }) : () -> ()
    %add3A_3 = arith.constant 128 : i32
    %add3A_4 = arith.addi %mul3A_2, %add3A_3 : i32
    "tpu.region"() ({
      %run_scoped3A = tpu.sem_alloc : memref<!tpu.dma_semaphore, #tpu.memory_space<semaphore_mem>>
      %dma_start3A_33 = tpu.memref_slice %arg3[%add3A_4] : memref<8192xi32, #tpu.memory_space<hbm>> -> memref<128xi32, #tpu.memory_space<hbm>>
      %dma_start3A_34 = tpu.memref_slice %arg3[%add3A_4] : memref<8192xi32, #tpu.memory_space<hbm>> -> memref<128xi32, #tpu.memory_space<hbm>>
      tpu.enqueue_dma source(%dma_start3A_34 : memref<128xi32, #tpu.memory_space<hbm>>) target(%arg6 : memref<128xi32, #tpu.memory_space<vmem>>) target_semaphore(%run_scoped3A : memref<!tpu.dma_semaphore, #tpu.memory_space<semaphore_mem>>)
      %dma_wait3A_35 = tpu.memref_slice %arg3[%add3A_4] : memref<8192xi32, #tpu.memory_space<hbm>> -> memref<128xi32, #tpu.memory_space<hbm>>
      %dma_wait3A_36 = tpu.memref_slice %arg3[%add3A_4] : memref<8192xi32, #tpu.memory_space<hbm>> -> memref<128xi32, #tpu.memory_space<hbm>>
      tpu.wait_dma2 semaphore(%run_scoped3A : memref<!tpu.dma_semaphore, #tpu.memory_space<semaphore_mem>>) src(%dma_wait3A_36 : memref<128xi32, #tpu.memory_space<hbm>>) dst(%arg6 : memref<128xi32, #tpu.memory_space<vmem>>)
      tpu.yield
    }) : () -> ()
    %dma_start3A = arith.constant 0 : i32
    %dma_start3A_5 = arith.constant 0 : i32
    %dma_start3A_6 = tpu.memref_slice %arg2[%dma_start3A, %dma_start3A_5] : memref<1024x256xf32, #tpu.memory_space<hbm>> -> memref<1024x256xf32, #tpu.memory_space<hbm>>
    tpu.enqueue_indirect_dma source(%dma_start3A_6 : memref<1024x256xf32, #tpu.memory_space<hbm>>) target(%arg7 : memref<128x256xf32, #tpu.memory_space<vmem>>) offsets(%arg5 : memref<128xi32, #tpu.memory_space<vmem>>) semaphore(%arg9 : memref<!tpu.dma_semaphore, #tpu.memory_space<semaphore_mem>>)
    %dma_start3A_7 = arith.constant 0 : i32
    %dma_start3A_8 = arith.constant 0 : i32
    %dma_start3A_9 = tpu.memref_slice %arg2[%dma_start3A_7, %dma_start3A_8] : memref<1024x256xf32, #tpu.memory_space<hbm>> -> memref<1024x256xf32, #tpu.memory_space<hbm>>
    tpu.enqueue_indirect_dma source(%dma_start3A_9 : memref<1024x256xf32, #tpu.memory_space<hbm>>) target(%arg8 : memref<128x256xf32, #tpu.memory_space<vmem>>) offsets(%arg6 : memref<128xi32, #tpu.memory_space<vmem>>) semaphore(%arg10 : memref<!tpu.dma_semaphore, #tpu.memory_space<semaphore_mem>>)
    %dma_wait3A = arith.constant 0 : i32
    %dma_wait3A_10 = arith.constant 0 : i32
    %dma_wait3A_11 = tpu.memref_slice %arg2[%dma_wait3A, %dma_wait3A_10] : memref<1024x256xf32, #tpu.memory_space<hbm>> -> memref<1024x256xf32, #tpu.memory_space<hbm>>
    tpu.wait_indirect_dma semaphore(%arg9 : memref<!tpu.dma_semaphore, #tpu.memory_space<semaphore_mem>>) src(%dma_wait3A_11 : memref<1024x256xf32, #tpu.memory_space<hbm>>) dst(%arg7 : memref<128x256xf32, #tpu.memory_space<vmem>>)
    %dma_start3A_12 = arith.constant 0 : i32
    %dma_start3A_13 = tpu.memref_slice %arg4[%mul3A_2, %dma_start3A_12] : memref<8192x256xf32, #tpu.memory_space<hbm>> -> memref<128x256xf32, #tpu.memory_space<hbm>>
    %dma_start3A_14 = arith.constant 0 : i32
    %dma_start3A_15 = tpu.memref_slice %arg4[%mul3A_2, %dma_start3A_14] : memref<8192x256xf32, #tpu.memory_space<hbm>> -> memref<128x256xf32, #tpu.memory_space<hbm>>
    tpu.enqueue_dma source(%arg7 : memref<128x256xf32, #tpu.memory_space<vmem>>) target(%dma_start3A_15 : memref<128x256xf32, #tpu.memory_space<hbm>>) target_semaphore(%arg11 : memref<!tpu.dma_semaphore, #tpu.memory_space<semaphore_mem>>)
    %dma_wait3A_16 = arith.constant 0 : i32
    %dma_wait3A_17 = arith.constant 0 : i32
    %dma_wait3A_18 = tpu.memref_slice %arg2[%dma_wait3A_16, %dma_wait3A_17] : memref<1024x256xf32, #tpu.memory_space<hbm>> -> memref<1024x256xf32, #tpu.memory_space<hbm>>
    tpu.wait_indirect_dma semaphore(%arg10 : memref<!tpu.dma_semaphore, #tpu.memory_space<semaphore_mem>>) src(%dma_wait3A_18 : memref<1024x256xf32, #tpu.memory_space<hbm>>) dst(%arg8 : memref<128x256xf32, #tpu.memory_space<vmem>>)
    %add3A_19 = arith.constant 128 : i32
    %add3A_20 = arith.addi %mul3A_2, %add3A_19 : i32
    %dma_start3A_21 = arith.constant 0 : i32
    %dma_start3A_22 = tpu.memref_slice %arg4[%add3A_20, %dma_start3A_21] : memref<8192x256xf32, #tpu.memory_space<hbm>> -> memref<128x256xf32, #tpu.memory_space<hbm>>
    %dma_start3A_23 = arith.constant 0 : i32
    %dma_start3A_24 = tpu.memref_slice %arg4[%add3A_20, %dma_start3A_23] : memref<8192x256xf32, #tpu.memory_space<hbm>> -> memref<128x256xf32, #tpu.memory_space<hbm>>
    tpu.enqueue_dma source(%arg8 : memref<128x256xf32, #tpu.memory_space<vmem>>) target(%dma_start3A_24 : memref<128x256xf32, #tpu.memory_space<hbm>>) target_semaphore(%arg12 : memref<!tpu.dma_semaphore, #tpu.memory_space<semaphore_mem>>)
    %dma_wait3A_25 = arith.constant 0 : i32
    %dma_wait3A_26 = tpu.memref_slice %arg4[%mul3A_2, %dma_wait3A_25] : memref<8192x256xf32, #tpu.memory_space<hbm>> -> memref<128x256xf32, #tpu.memory_space<hbm>>
    %dma_wait3A_27 = arith.constant 0 : i32
    %dma_wait3A_28 = tpu.memref_slice %arg4[%mul3A_2, %dma_wait3A_27] : memref<8192x256xf32, #tpu.memory_space<hbm>> -> memref<128x256xf32, #tpu.memory_space<hbm>>
    tpu.wait_dma2 semaphore(%arg11 : memref<!tpu.dma_semaphore, #tpu.memory_space<semaphore_mem>>) src(%arg7 : memref<128x256xf32, #tpu.memory_space<vmem>>) dst(%dma_wait3A_28 : memref<128x256xf32, #tpu.memory_space<hbm>>)
    %dma_wait3A_29 = arith.constant 0 : i32
    %dma_wait3A_30 = tpu.memref_slice %arg4[%add3A_20, %dma_wait3A_29] : memref<8192x256xf32, #tpu.memory_space<hbm>> -> memref<128x256xf32, #tpu.memory_space<hbm>>
    %dma_wait3A_31 = arith.constant 0 : i32
    %dma_wait3A_32 = tpu.memref_slice %arg4[%add3A_20, %dma_wait3A_31] : memref<8192x256xf32, #tpu.memory_space<hbm>> -> memref<128x256xf32, #tpu.memory_space<hbm>>
    tpu.wait_dma2 semaphore(%arg12 : memref<!tpu.dma_semaphore, #tpu.memory_space<semaphore_mem>>) src(%arg8 : memref<128x256xf32, #tpu.memory_space<vmem>>) dst(%dma_wait3A_32 : memref<128x256xf32, #tpu.memory_space<hbm>>)
    return
  }
}

module attributes {stable_mosaic.version = 14 : i64} {
  func.func @_conv1_kernel(%arg0: memref<16384x40xbf16, #tpu.memory_space<vmem>>, %arg1: memref<40x32xf32, #tpu.memory_space<vmem>>, %arg2: memref<1x32xf32, #tpu.memory_space<vmem>>, %arg3: memref<16384x32xbf16, #tpu.memory_space<vmem>>) attributes {dimension_semantics = [], scalar_prefetch = 0 : i64, scratch_operands = 0 : i64, tpu.core_type = #tpu.core_type<tc>} {
    %get3A = arith.constant 0 : index
    %get3A_0 = arith.constant 0 : index
    %get3A_1 = vector.load %arg0[%get3A, %get3A_0] : memref<16384x40xbf16, #tpu.memory_space<vmem>>, vector<16384x40xbf16>
    %get3A_2 = arith.constant 0 : index
    %get3A_3 = arith.constant 0 : index
    %get3A_4 = vector.load %arg1[%get3A_2, %get3A_3] : memref<40x32xf32, #tpu.memory_space<vmem>>, vector<40x32xf32>
    %convert_element_type3A = arith.truncf %get3A_4 : vector<40x32xf32> to vector<40x32xbf16>
    %dot_general3A = arith.constant dense<0.000000e+00> : vector<16384x32xf32>
    %dot_general3A_5 = tpu.matmul %get3A_1, %convert_element_type3A, %dot_general3A {dimension_numbers = #tpu.dot_dimension_numbers<[1], [0], [0], [1], [0, 0, 1, 1], [], []>, transpose_lhs_hint = false} : vector<16384x40xbf16>, vector<40x32xbf16>, vector<16384x32xf32> -> vector<16384x32xf32>
    %get3A_6 = arith.constant 0 : index
    %get3A_7 = arith.constant 0 : index
    %get3A_8 = vector.load %arg2[%get3A_6, %get3A_7] : memref<1x32xf32, #tpu.memory_space<vmem>>, vector<1x32xf32>
    %add3A = vector.broadcast %get3A_8 : vector<1x32xf32> to vector<16384x32xf32>
    %add3A_9 = arith.addf %dot_general3A_5, %add3A : vector<16384x32xf32>
    %max3A = arith.constant 0.000000e+00 : f32
    %max3A_10 = vector.broadcast %max3A : f32 to vector<16384x32xf32>
    %max3A_11 = arith.maximumf %add3A_9, %max3A_10 : vector<16384x32xf32>
    %convert_element_type3A_12 = arith.truncf %max3A_11 : vector<16384x32xf32> to vector<16384x32xbf16>
    %swap3A = arith.constant 0 : index
    %swap3A_13 = arith.constant 0 : index
    %swap3A_14 = vector.load %arg3[%swap3A, %swap3A_13] : memref<16384x32xbf16, #tpu.memory_space<vmem>>, vector<16384x32xbf16>
    tpu.vector_store %arg3[%swap3A, %swap3A_13], %convert_element_type3A_12 {strides = array<i32>} : memref<16384x32xbf16, #tpu.memory_space<vmem>>, vector<16384x32xbf16>,
    return
  }
}

module attributes {stable_mosaic.version = 14 : i64} {
  func.func @_vq_kernel(%arg0: i32, %arg1: memref<2048x160xbf16, #tpu.memory_space<vmem>>, %arg2: memref<160x256xf32, #tpu.memory_space<vmem>>, %arg3: memref<1x256xf32, #tpu.memory_space<vmem>>, %arg4: memref<256x1024xf32, #tpu.memory_space<vmem>>, %arg5: memref<1x1x2048xi32, #tpu.memory_space<vmem>>) attributes {dimension_semantics = [#tpu.dimension_semantics<arbitrary>], iteration_bounds = array<i64: 4>, scalar_prefetch = 0 : i64, scratch_operands = 0 : i64, tpu.core_type = #tpu.core_type<tc>, window_params = [{transform_indices = @transform_0, window_bounds = array<i64: 2048, 160>}, {pipeline_mode = #tpu.pipeline_mode<synchronous>, transform_indices = @transform_1, window_bounds = array<i64: 160, 256>}, {pipeline_mode = #tpu.pipeline_mode<synchronous>, transform_indices = @transform_2, window_bounds = array<i64: 1, 256>}, {pipeline_mode = #tpu.pipeline_mode<synchronous>, transform_indices = @transform_3, window_bounds = array<i64: 256, 1024>}, {transform_indices = @transform_4, window_bounds = array<i64: 1, 1, 2048>}]} {
    %get3A = arith.constant 0 : index
    %get3A_0 = arith.constant 0 : index
    %get3A_1 = vector.load %arg1[%get3A, %get3A_0] : memref<2048x160xbf16, #tpu.memory_space<vmem>>, vector<2048x160xbf16>
    %get3A_2 = arith.constant 0 : index
    %get3A_3 = arith.constant 0 : index
    %get3A_4 = vector.load %arg2[%get3A_2, %get3A_3] : memref<160x256xf32, #tpu.memory_space<vmem>>, vector<160x256xf32>
    %convert_element_type3A = arith.truncf %get3A_4 : vector<160x256xf32> to vector<160x256xbf16>
    %dot_general3A = arith.constant dense<0.000000e+00> : vector<2048x256xf32>
    %dot_general3A_5 = tpu.matmul %get3A_1, %convert_element_type3A, %dot_general3A {dimension_numbers = #tpu.dot_dimension_numbers<[1], [0], [0], [1], [0, 0, 1, 1], [], []>, transpose_lhs_hint = false} : vector<2048x160xbf16>, vector<160x256xbf16>, vector<2048x256xf32> -> vector<2048x256xf32>
    %get3A_6 = arith.constant 0 : index
    %get3A_7 = arith.constant 0 : index
    %get3A_8 = vector.load %arg3[%get3A_6, %get3A_7] : memref<1x256xf32, #tpu.memory_space<vmem>>, vector<1x256xf32>
    %add3A = vector.broadcast %get3A_8 : vector<1x256xf32> to vector<2048x256xf32>
    %add3A_9 = arith.addf %dot_general3A_5, %add3A : vector<2048x256xf32>
    %max3A = arith.constant 0.000000e+00 : f32
    %max3A_10 = vector.broadcast %max3A : f32 to vector<2048x256xf32>
    %max3A_11 = arith.maximumf %add3A_9, %max3A_10 : vector<2048x256xf32>
    %get3A_12 = arith.constant 0 : index
    %get3A_13 = arith.constant 0 : index
    %get3A_14 = vector.load %arg4[%get3A_12, %get3A_13] : memref<256x1024xf32, #tpu.memory_space<vmem>>, vector<256x1024xf32>
    %convert_element_type3A_15 = arith.truncf %max3A_11 : vector<2048x256xf32> to vector<2048x256xbf16>
    %convert_element_type3A_16 = arith.truncf %get3A_14 : vector<256x1024xf32> to vector<256x1024xbf16>
    %dot_general3A_17 = arith.constant dense<0.000000e+00> : vector<2048x1024xf32>
    %dot_general3A_18 = tpu.matmul %convert_element_type3A_15, %convert_element_type3A_16, %dot_general3A_17 {dimension_numbers = #tpu.dot_dimension_numbers<[1], [0], [0], [1], [0, 0, 1, 1], [], []>, transpose_lhs_hint = false} : vector<2048x256xbf16>, vector<256x1024xbf16>, vector<2048x1024xf32> -> vector<2048x1024xf32>
    %get3A_19 = arith.constant 0 : index
    %get3A_20 = arith.constant 0 : index
    %get3A_21 = vector.load %arg4[%get3A_19, %get3A_20] : memref<256x1024xf32, #tpu.memory_space<vmem>>, vector<256x1024xf32>
    %get3A_22 = arith.constant 0 : index
    %get3A_23 = arith.constant 0 : index
    %get3A_24 = vector.load %arg4[%get3A_22, %get3A_23] : memref<256x1024xf32, #tpu.memory_space<vmem>>, vector<256x1024xf32>
    %mul3A = arith.mulf %get3A_21, %get3A_24 : vector<256x1024xf32>
    %reduce_sum3A = arith.constant dense<0.000000e+00> : vector<1024xf32>
    %reduce_sum3A_25 = vector.multi_reduction <add>, %mul3A, %reduce_sum3A [0] : vector<256x1024xf32> to vector<1024xf32>
    %mul3A_26 = arith.mulf %max3A_11, %max3A_11 : vector<2048x256xf32>
    %reduce_sum3A_27 = arith.constant dense<0.000000e+00> : vector<2048xf32>
    %reduce_sum3A_28 = vector.multi_reduction <add>, %mul3A_26, %reduce_sum3A_27 [1] : vector<2048x256xf32> to vector<2048xf32>
    %broadcast_in_dim3A = vector.shape_cast %reduce_sum3A_28 : vector<2048xf32> to vector<2048x1xf32>
    %broadcast_in_dim3A_29 = vector.shape_cast %reduce_sum3A_25 : vector<1024xf32> to vector<1x1024xf32>
    %add3A_30 = vector.broadcast %broadcast_in_dim3A : vector<2048x1xf32> to vector<2048x1024xf32>
    %add3A_31 = vector.broadcast %broadcast_in_dim3A_29 : vector<1x1024xf32> to vector<2048x1024xf32>
    %add3A_32 = arith.addf %add3A_30, %add3A_31 : vector<2048x1024xf32>
    %mul3A_33 = arith.constant 2.000000e+00 : f32
    %mul3A_34 = vector.broadcast %mul3A_33 : f32 to vector<2048x1024xf32>
    %mul3A_35 = arith.mulf %mul3A_34, %dot_general3A_18 : vector<2048x1024xf32>
    %sub3A = arith.subf %add3A_32, %mul3A_35 : vector<2048x1024xf32>
    %reduce_min3A = arith.constant dense<0x7F800000> : vector<2048xf32>
    %reduce_min3A_36 = vector.multi_reduction <minimumf>, %sub3A, %reduce_min3A [1] : vector<2048x1024xf32> to vector<2048xf32>
    %broadcast_in_dim3A_37 = vector.shape_cast %reduce_min3A_36 : vector<2048xf32> to vector<2048x1xf32>
    %iota3A = tpu.iota {dimensions = array<i32: 1>} : vector<2048x1024xi32>
    %eq3A = vector.broadcast %broadcast_in_dim3A_37 : vector<2048x1xf32> to vector<2048x1024xf32>
    %eq3A_38 = arith.cmpf oeq, %sub3A, %eq3A : vector<2048x1024xf32>
    %jit3A = arith.constant 1024 : i32
    %broadcast_in_dim3A_39 = vector.broadcast %jit3A : i32 to vector<2048x1024xi32>
    %select_n3A = arith.select %eq3A_38, %iota3A, %broadcast_in_dim3A_39 : vector<2048x1024xi1>, vector<2048x1024xi32>
    %reduce_min3A_40 = arith.constant dense<2147483647> : vector<2048xi32>
    %reduce_min3A_41 = vector.multi_reduction <minsi>, %select_n3A, %reduce_min3A_40 [1] : vector<2048x1024xi32> to vector<2048xi32>
    %swap3A = arith.constant 0 : index
    %swap3A_42 = arith.constant 0 : index
    %swap3A_43 = arith.constant 0 : index
    %swap3A_44 = vector.load %arg5[%swap3A, %swap3A_42, %swap3A_43] : memref<1x1x2048xi32, #tpu.memory_space<vmem>>, vector<1x1x2048xi32>
    %swap3A_45 = vector.shape_cast %swap3A_44 : vector<1x1x2048xi32> to vector<2048xi32>
    %swap3A_46 = vector.shape_cast %reduce_min3A_41 : vector<2048xi32> to vector<1x1x2048xi32>
    tpu.vector_store %arg5[%swap3A, %swap3A_42, %swap3A_43], %swap3A_46 {strides = array<i32>} : memref<1x1x2048xi32, #tpu.memory_space<vmem>>, vector<1x1x2048xi32>,
    return
  }
  func.func @transform_0(%arg0: i32) -> (i32, i32) {
    %c0_i32 = arith.constant 0 : i32
    %c0_i32_0 = arith.constant 0 : i32
    return %arg0, %c0_i32 : i32, i32
  }
  func.func @transform_1(%arg0: i32) -> (i32, i32) {
    %c0_i32 = arith.constant 0 : i32
    %c0_i32_0 = arith.constant 0 : i32
    %c0_i32_1 = arith.constant 0 : i32
    return %c0_i32, %c0_i32_0 : i32, i32
  }
  func.func @transform_2(%arg0: i32) -> (i32, i32) {
    %c0_i32 = arith.constant 0 : i32
    %c0_i32_0 = arith.constant 0 : i32
    %c0_i32_1 = arith.constant 0 : i32
    return %c0_i32, %c0_i32_0 : i32, i32
  }
  func.func @transform_3(%arg0: i32) -> (i32, i32) {
    %c0_i32 = arith.constant 0 : i32
    %c0_i32_0 = arith.constant 0 : i32
    %c0_i32_1 = arith.constant 0 : i32
    return %c0_i32, %c0_i32_0 : i32, i32
  }
  func.func @transform_4(%arg0: i32) -> (i32, i32, i32) {
    %c0_i32 = arith.constant 0 : i32
    %c0_i32_0 = arith.constant 0 : i32
    %c0_i32_1 = arith.constant 0 : i32
    return %arg0, %c0_i32, %c0_i32_0 : i32, i32, i32
  }
}

module attributes {stable_mosaic.version = 14 : i64} {
  func.func @_gru_kernel(%arg0: i32, %arg1: memref<2048x256xf32, #tpu.memory_space<vmem>>, %arg2: memref<256x768xbf16, #tpu.memory_space<vmem>>, %arg3: memref<1x768xf32, #tpu.memory_space<vmem>>, %arg4: memref<256x768xbf16, #tpu.memory_space<vmem>>, %arg5: memref<1x768xf32, #tpu.memory_space<vmem>>, %arg6: memref<256x256xbf16, #tpu.memory_space<vmem>>, %arg7: memref<1x256xf32, #tpu.memory_space<vmem>>, %arg8: memref<2048x256xf32, #tpu.memory_space<vmem>>, %arg9: memref<8x256xf32, #tpu.memory_space<vmem>>, %arg10: memref<2048x768xf32, #tpu.memory_space<vmem>>, %arg11: memref<2048x256xf32, #tpu.memory_space<vmem>>) attributes {dimension_semantics = [#tpu.dimension_semantics<arbitrary>], iteration_bounds = array<i64: 4>, scalar_prefetch = 0 : i64, scratch_operands = 3 : i64, tpu.core_type = #tpu.core_type<tc>, window_params = [{transform_indices = @transform_0, window_bounds = array<i64: 2048, 256>}, {pipeline_mode = #tpu.pipeline_mode<synchronous>, transform_indices = @transform_1, window_bounds = array<i64: 256, 768>}, {pipeline_mode = #tpu.pipeline_mode<synchronous>, transform_indices = @transform_2, window_bounds = array<i64: 1, 768>}, {pipeline_mode = #tpu.pipeline_mode<synchronous>, transform_indices = @transform_3, window_bounds = array<i64: 256, 768>}, {pipeline_mode = #tpu.pipeline_mode<synchronous>, transform_indices = @transform_4, window_bounds = array<i64: 1, 768>}, {pipeline_mode = #tpu.pipeline_mode<synchronous>, transform_indices = @transform_5, window_bounds = array<i64: 256, 256>}, {pipeline_mode = #tpu.pipeline_mode<synchronous>, transform_indices = @transform_6, window_bounds = array<i64: 1, 256>}, {transform_indices = @transform_7, window_bounds = array<i64: 2048, 256>}]} {
    %eq3A = arith.constant 0 : i32
    %eq3A_0 = arith.cmpi eq, %arg0, %eq3A : i32
    %convert_element_type3A = arith.extui %eq3A_0 : i1 to i32
    %cond3A = arith.constant 0 : i32
    %cond3A_1 = arith.cmpi ne, %convert_element_type3A, %cond3A : i32
    scf.if %cond3A_1 {
      %broadcast_in_dim3A = arith.constant 0.000000e+00 : f32
      %broadcast_in_dim3A_36 = vector.broadcast %broadcast_in_dim3A : f32 to vector<8x256xf32>
      %swap3A_37 = arith.constant 0 : index
      %swap3A_38 = arith.constant 0 : index
      %swap3A_39 = vector.load %arg9[%swap3A_37, %swap3A_38] : memref<8x256xf32, #tpu.memory_space<vmem>>, vector<8x256xf32>
      tpu.vector_store %arg9[%swap3A_37, %swap3A_38], %broadcast_in_dim3A_36 {strides = array<i32>} : memref<8x256xf32, #tpu.memory_space<vmem>>, vector<8x256xf32>,
    } else {
    }
    %get3A = arith.constant 0 : index
    %get3A_2 = arith.constant 0 : index
    %get3A_3 = vector.load %arg1[%get3A, %get3A_2] : memref<2048x256xf32, #tpu.memory_space<vmem>>, vector<2048x256xf32>
    %get3A_4 = arith.constant 0 : index
    %get3A_5 = arith.constant 0 : index
    %get3A_6 = vector.load %arg2[%get3A_4, %get3A_5] : memref<256x768xbf16, #tpu.memory_space<vmem>>, vector<256x768xbf16>
    %convert_element_type3A_7 = arith.truncf %get3A_3 : vector<2048x256xf32> to vector<2048x256xbf16>
    %dot_general3A = arith.constant dense<0.000000e+00> : vector<2048x768xf32>
    %dot_general3A_8 = tpu.matmul %convert_element_type3A_7, %get3A_6, %dot_general3A {dimension_numbers = #tpu.dot_dimension_numbers<[1], [0], [0], [1], [0, 0, 1, 1], [], []>, transpose_lhs_hint = false} : vector<2048x256xbf16>, vector<256x768xbf16>, vector<2048x768xf32> -> vector<2048x768xf32>
    %get3A_9 = arith.constant 0 : index
    %get3A_10 = arith.constant 0 : index
    %get3A_11 = vector.load %arg3[%get3A_9, %get3A_10] : memref<1x768xf32, #tpu.memory_space<vmem>>, vector<1x768xf32>
    %add3A = vector.broadcast %get3A_11 : vector<1x768xf32> to vector<2048x768xf32>
    %add3A_12 = arith.addf %dot_general3A_8, %add3A : vector<2048x768xf32>
    %swap3A = arith.constant 0 : index
    %swap3A_13 = arith.constant 0 : index
    %swap3A_14 = vector.load %arg10[%swap3A, %swap3A_13] : memref<2048x768xf32, #tpu.memory_space<vmem>>, vector<2048x768xf32>
    tpu.vector_store %arg10[%swap3A, %swap3A_13], %add3A_12 {strides = array<i32>} : memref<2048x768xf32, #tpu.memory_space<vmem>>, vector<2048x768xf32>,
    %scan3A = arith.constant 0 : i32
    %scan3A_15 = arith.constant 256 : i32
    %scan3A_16 = arith.addi %scan3A, %scan3A_15 : i32
    %scan3A_17 = arith.constant 4 : i32
    scf.for %scan3A_36 = %scan3A to %scan3A_16 step %scan3A_17  : i32 {
      %mul3A = arith.constant 8 : i32
      %mul3A_37 = arith.muli %scan3A_36, %mul3A : i32
      %get3A_38 = arith.constant 0 : index
      %get3A_39 = arith.constant 0 : index
      %get3A_40 = vector.load %arg9[%get3A_38, %get3A_39] : memref<8x256xf32, #tpu.memory_space<vmem>>, vector<8x256xf32>
      %get3A_41 = arith.constant 0 : index
      %get3A_42 = arith.constant 0 : index
      %get3A_43 = vector.load %arg4[%get3A_41, %get3A_42] : memref<256x768xbf16, #tpu.memory_space<vmem>>, vector<256x768xbf16>
      %convert_element_type3A_44 = arith.truncf %get3A_40 : vector<8x256xf32> to vector<8x256xbf16>
      %dot_general3A_45 = arith.constant dense<0.000000e+00> : vector<8x768xf32>
      %dot_general3A_46 = tpu.matmul %convert_element_type3A_44, %get3A_43, %dot_general3A_45 {dimension_numbers = #tpu.dot_dimension_numbers<[1], [0], [0], [1], [0, 0, 1, 1], [], []>, transpose_lhs_hint = false} : vector<8x256xbf16>, vector<256x768xbf16>, vector<8x768xf32> -> vector<8x768xf32>
      %get3A_47 = arith.constant 0 : index
      %get3A_48 = arith.constant 0 : index
      %get3A_49 = vector.load %arg5[%get3A_47, %get3A_48] : memref<1x768xf32, #tpu.memory_space<vmem>>, vector<1x768xf32>
      %add3A_50 = vector.broadcast %get3A_49 : vector<1x768xf32> to vector<8x768xf32>
      %add3A_51 = arith.addf %dot_general3A_46, %add3A_50 : vector<8x768xf32>
      %get3A_52 = arith.index_cast %mul3A_37 : i32 to index
      %get3A_53 = arith.constant 0 : index
      %get3A_54 = vector.load %arg10[%get3A_52, %get3A_53] : memref<2048x768xf32, #tpu.memory_space<vmem>>, vector<8x768xf32>
      %slice3A = vector.extract_strided_slice %get3A_54 {offsets = [0, 0], sizes = [8, 256], strides = [1, 1]} : vector<8x768xf32> to vector<8x256xf32>
      %slice3A_55 = vector.extract_strided_slice %add3A_51 {offsets = [0, 0], sizes = [8, 256], strides = [1, 1]} : vector<8x768xf32> to vector<8x256xf32>
      %add3A_56 = arith.addf %slice3A, %slice3A_55 : vector<8x256xf32>
      %logistic3A = arith.negf %add3A_56 : vector<8x256xf32>
      %logistic3A_57 = math.exp %logistic3A : vector<8x256xf32>
      %logistic3A_58 = arith.constant 1.000000e+00 : f32
      %logistic3A_59 = vector.broadcast %logistic3A_58 : f32 to vector<8x256xf32>
      %logistic3A_60 = arith.addf %logistic3A_59, %logistic3A_57 : vector<8x256xf32>
      %logistic3A_61 = arith.divf %logistic3A_59, %logistic3A_60 : vector<8x256xf32>
      %slice3A_62 = vector.extract_strided_slice %get3A_54 {offsets = [0, 256], sizes = [8, 256], strides = [1, 1]} : vector<8x768xf32> to vector<8x256xf32>
      %slice3A_63 = vector.extract_strided_slice %add3A_51 {offsets = [0, 256], sizes = [8, 256], strides = [1, 1]} : vector<8x768xf32> to vector<8x256xf32>
      %add3A_64 = arith.addf %slice3A_62, %slice3A_63 : vector<8x256xf32>
      %logistic3A_65 = arith.negf %add3A_64 : vector<8x256xf32>
      %logistic3A_66 = math.exp %logistic3A_65 : vector<8x256xf32>
      %logistic3A_67 = arith.constant 1.000000e+00 : f32
      %logistic3A_68 = vector.broadcast %logistic3A_67 : f32 to vector<8x256xf32>
      %logistic3A_69 = arith.addf %logistic3A_68, %logistic3A_66 : vector<8x256xf32>
      %logistic3A_70 = arith.divf %logistic3A_68, %logistic3A_69 : vector<8x256xf32>
      %slice3A_71 = vector.extract_strided_slice %get3A_54 {offsets = [0, 512], sizes = [8, 256], strides = [1, 1]} : vector<8x768xf32> to vector<8x256xf32>
      %slice3A_72 = vector.extract_strided_slice %add3A_51 {offsets = [0, 512], sizes = [8, 256], strides = [1, 1]} : vector<8x768xf32> to vector<8x256xf32>
      %mul3A_73 = arith.mulf %logistic3A_61, %slice3A_72 : vector<8x256xf32>
      %add3A_74 = arith.addf %slice3A_71, %mul3A_73 : vector<8x256xf32>
      %tanh3A = math.tanh %add3A_74 : vector<8x256xf32>
      %sub3A = arith.constant 1.000000e+00 : f32
      %sub3A_75 = vector.broadcast %sub3A : f32 to vector<8x256xf32>
      %sub3A_76 = arith.subf %sub3A_75, %logistic3A_70 : vector<8x256xf32>
      %mul3A_77 = arith.mulf %sub3A_76, %tanh3A : vector<8x256xf32>
      %mul3A_78 = arith.mulf %logistic3A_70, %get3A_40 : vector<8x256xf32>
      %add3A_79 = arith.addf %mul3A_77, %mul3A_78 : vector<8x256xf32>
      %swap3A_80 = arith.constant 0 : index
      %swap3A_81 = arith.constant 0 : index
      %swap3A_82 = vector.load %arg9[%swap3A_80, %swap3A_81] : memref<8x256xf32, #tpu.memory_space<vmem>>, vector<8x256xf32>
      tpu.vector_store %arg9[%swap3A_80, %swap3A_81], %add3A_79 {strides = array<i32>} : memref<8x256xf32, #tpu.memory_space<vmem>>, vector<8x256xf32>,
      %swap3A_83 = arith.index_cast %mul3A_37 : i32 to index
      %swap3A_84 = arith.constant 0 : index
      %swap3A_85 = vector.load %arg11[%swap3A_83, %swap3A_84] : memref<2048x256xf32, #tpu.memory_space<vmem>>, vector<8x256xf32>
      tpu.vector_store %arg11[%swap3A_83, %swap3A_84], %add3A_79 {strides = array<i32>} : memref<2048x256xf32, #tpu.memory_space<vmem>>, vector<8x256xf32>,
      %scan3A_86 = arith.constant 1 : i32
      %scan3A_87 = arith.addi %scan3A_36, %scan3A_86 : i32
      %mul3A_88 = arith.constant 8 : i32
      %mul3A_89 = arith.muli %scan3A_87, %mul3A_88 : i32
      %get3A_90 = arith.constant 0 : index
      %get3A_91 = arith.constant 0 : index
      %get3A_92 = vector.load %arg9[%get3A_90, %get3A_91] : memref<8x256xf32, #tpu.memory_space<vmem>>, vector<8x256xf32>
      %get3A_93 = arith.constant 0 : index
      %get3A_94 = arith.constant 0 : index
      %get3A_95 = vector.load %arg4[%get3A_93, %get3A_94] : memref<256x768xbf16, #tpu.memory_space<vmem>>, vector<256x768xbf16>
      %convert_element_type3A_96 = arith.truncf %get3A_92 : vector<8x256xf32> to vector<8x256xbf16>
      %dot_general3A_97 = arith.constant dense<0.000000e+00> : vector<8x768xf32>
      %dot_general3A_98 = tpu.matmul %convert_element_type3A_96, %get3A_95, %dot_general3A_97 {dimension_numbers = #tpu.dot_dimension_numbers<[1], [0], [0], [1], [0, 0, 1, 1], [], []>, transpose_lhs_hint = false} : vector<8x256xbf16>, vector<256x768xbf16>, vector<8x768xf32> -> vector<8x768xf32>
      %get3A_99 = arith.constant 0 : index
      %get3A_100 = arith.constant 0 : index
      %get3A_101 = vector.load %arg5[%get3A_99, %get3A_100] : memref<1x768xf32, #tpu.memory_space<vmem>>, vector<1x768xf32>
      %add3A_102 = vector.broadcast %get3A_101 : vector<1x768xf32> to vector<8x768xf32>
      %add3A_103 = arith.addf %dot_general3A_98, %add3A_102 : vector<8x768xf32>
      %get3A_104 = arith.index_cast %mul3A_89 : i32 to index
      %get3A_105 = arith.constant 0 : index
      %get3A_106 = vector.load %arg10[%get3A_104, %get3A_105] : memref<2048x768xf32, #tpu.memory_space<vmem>>, vector<8x768xf32>
      %slice3A_107 = vector.extract_strided_slice %get3A_106 {offsets = [0, 0], sizes = [8, 256], strides = [1, 1]} : vector<8x768xf32> to vector<8x256xf32>
      %slice3A_108 = vector.extract_strided_slice %add3A_103 {offsets = [0, 0], sizes = [8, 256], strides = [1, 1]} : vector<8x768xf32> to vector<8x256xf32>
      %add3A_109 = arith.addf %slice3A_107, %slice3A_108 : vector<8x256xf32>
      %logistic3A_110 = arith.negf %add3A_109 : vector<8x256xf32>
      %logistic3A_111 = math.exp %logistic3A_110 : vector<8x256xf32>
      %logistic3A_112 = arith.constant 1.000000e+00 : f32
      %logistic3A_113 = vector.broadcast %logistic3A_112 : f32 to vector<8x256xf32>
      %logistic3A_114 = arith.addf %logistic3A_113, %logistic3A_111 : vector<8x256xf32>
      %logistic3A_115 = arith.divf %logistic3A_113, %logistic3A_114 : vector<8x256xf32>
      %slice3A_116 = vector.extract_strided_slice %get3A_106 {offsets = [0, 256], sizes = [8, 256], strides = [1, 1]} : vector<8x768xf32> to vector<8x256xf32>
      %slice3A_117 = vector.extract_strided_slice %add3A_103 {offsets = [0, 256], sizes = [8, 256], strides = [1, 1]} : vector<8x768xf32> to vector<8x256xf32>
      %add3A_118 = arith.addf %slice3A_116, %slice3A_117 : vector<8x256xf32>
      %logistic3A_119 = arith.negf %add3A_118 : vector<8x256xf32>
      %logistic3A_120 = math.exp %logistic3A_119 : vector<8x256xf32>
      %logistic3A_121 = arith.constant 1.000000e+00 : f32
      %logistic3A_122 = vector.broadcast %logistic3A_121 : f32 to vector<8x256xf32>
      %logistic3A_123 = arith.addf %logistic3A_122, %logistic3A_120 : vector<8x256xf32>
      %logistic3A_124 = arith.divf %logistic3A_122, %logistic3A_123 : vector<8x256xf32>
      %slice3A_125 = vector.extract_strided_slice %get3A_106 {offsets = [0, 512], sizes = [8, 256], strides = [1, 1]} : vector<8x768xf32> to vector<8x256xf32>
      %slice3A_126 = vector.extract_strided_slice %add3A_103 {offsets = [0, 512], sizes = [8, 256], strides = [1, 1]} : vector<8x768xf32> to vector<8x256xf32>
      %mul3A_127 = arith.mulf %logistic3A_115, %slice3A_126 : vector<8x256xf32>
      %add3A_128 = arith.addf %slice3A_125, %mul3A_127 : vector<8x256xf32>
      %tanh3A_129 = math.tanh %add3A_128 : vector<8x256xf32>
      %sub3A_130 = arith.constant 1.000000e+00 : f32
      %sub3A_131 = vector.broadcast %sub3A_130 : f32 to vector<8x256xf32>
      %sub3A_132 = arith.subf %sub3A_131, %logistic3A_124 : vector<8x256xf32>
      %mul3A_133 = arith.mulf %sub3A_132, %tanh3A_129 : vector<8x256xf32>
      %mul3A_134 = arith.mulf %logistic3A_124, %get3A_92 : vector<8x256xf32>
      %add3A_135 = arith.addf %mul3A_133, %mul3A_134 : vector<8x256xf32>
      %swap3A_136 = arith.constant 0 : index
      %swap3A_137 = arith.constant 0 : index
      %swap3A_138 = vector.load %arg9[%swap3A_136, %swap3A_137] : memref<8x256xf32, #tpu.memory_space<vmem>>, vector<8x256xf32>
      tpu.vector_store %arg9[%swap3A_136, %swap3A_137], %add3A_135 {strides = array<i32>} : memref<8x256xf32, #tpu.memory_space<vmem>>, vector<8x256xf32>,
      %swap3A_139 = arith.index_cast %mul3A_89 : i32 to index
      %swap3A_140 = arith.constant 0 : index
      %swap3A_141 = vector.load %arg11[%swap3A_139, %swap3A_140] : memref<2048x256xf32, #tpu.memory_space<vmem>>, vector<8x256xf32>
      tpu.vector_store %arg11[%swap3A_139, %swap3A_140], %add3A_135 {strides = array<i32>} : memref<2048x256xf32, #tpu.memory_space<vmem>>, vector<8x256xf32>,
      %scan3A_142 = arith.constant 2 : i32
      %scan3A_143 = arith.addi %scan3A_36, %scan3A_142 : i32
      %mul3A_144 = arith.constant 8 : i32
      %mul3A_145 = arith.muli %scan3A_143, %mul3A_144 : i32
      %get3A_146 = arith.constant 0 : index
      %get3A_147 = arith.constant 0 : index
      %get3A_148 = vector.load %arg9[%get3A_146, %get3A_147] : memref<8x256xf32, #tpu.memory_space<vmem>>, vector<8x256xf32>
      %get3A_149 = arith.constant 0 : index
      %get3A_150 = arith.constant 0 : index
      %get3A_151 = vector.load %arg4[%get3A_149, %get3A_150] : memref<256x768xbf16, #tpu.memory_space<vmem>>, vector<256x768xbf16>
      %convert_element_type3A_152 = arith.truncf %get3A_148 : vector<8x256xf32> to vector<8x256xbf16>
      %dot_general3A_153 = arith.constant dense<0.000000e+00> : vector<8x768xf32>
      %dot_general3A_154 = tpu.matmul %convert_element_type3A_152, %get3A_151, %dot_general3A_153 {dimension_numbers = #tpu.dot_dimension_numbers<[1], [0], [0], [1], [0, 0, 1, 1], [], []>, transpose_lhs_hint = false} : vector<8x256xbf16>, vector<256x768xbf16>, vector<8x768xf32> -> vector<8x768xf32>
      %get3A_155 = arith.constant 0 : index
      %get3A_156 = arith.constant 0 : index
      %get3A_157 = vector.load %arg5[%get3A_155, %get3A_156] : memref<1x768xf32, #tpu.memory_space<vmem>>, vector<1x768xf32>
      %add3A_158 = vector.broadcast %get3A_157 : vector<1x768xf32> to vector<8x768xf32>
      %add3A_159 = arith.addf %dot_general3A_154, %add3A_158 : vector<8x768xf32>
      %get3A_160 = arith.index_cast %mul3A_145 : i32 to index
      %get3A_161 = arith.constant 0 : index
      %get3A_162 = vector.load %arg10[%get3A_160, %get3A_161] : memref<2048x768xf32, #tpu.memory_space<vmem>>, vector<8x768xf32>
      %slice3A_163 = vector.extract_strided_slice %get3A_162 {offsets = [0, 0], sizes = [8, 256], strides = [1, 1]} : vector<8x768xf32> to vector<8x256xf32>
      %slice3A_164 = vector.extract_strided_slice %add3A_159 {offsets = [0, 0], sizes = [8, 256], strides = [1, 1]} : vector<8x768xf32> to vector<8x256xf32>
      %add3A_165 = arith.addf %slice3A_163, %slice3A_164 : vector<8x256xf32>
      %logistic3A_166 = arith.negf %add3A_165 : vector<8x256xf32>
      %logistic3A_167 = math.exp %logistic3A_166 : vector<8x256xf32>
      %logistic3A_168 = arith.constant 1.000000e+00 : f32
      %logistic3A_169 = vector.broadcast %logistic3A_168 : f32 to vector<8x256xf32>
      %logistic3A_170 = arith.addf %logistic3A_169, %logistic3A_167 : vector<8x256xf32>
      %logistic3A_171 = arith.divf %logistic3A_169, %logistic3A_170 : vector<8x256xf32>
      %slice3A_172 = vector.extract_strided_slice %get3A_162 {offsets = [0, 256], sizes = [8, 256], strides = [1, 1]} : vector<8x768xf32> to vector<8x256xf32>
      %slice3A_173 = vector.extract_strided_slice %add3A_159 {offsets = [0, 256], sizes = [8, 256], strides = [1, 1]} : vector<8x768xf32> to vector<8x256xf32>
      %add3A_174 = arith.addf %slice3A_172, %slice3A_173 : vector<8x256xf32>
      %logistic3A_175 = arith.negf %add3A_174 : vector<8x256xf32>
      %logistic3A_176 = math.exp %logistic3A_175 : vector<8x256xf32>
      %logistic3A_177 = arith.constant 1.000000e+00 : f32
      %logistic3A_178 = vector.broadcast %logistic3A_177 : f32 to vector<8x256xf32>
      %logistic3A_179 = arith.addf %logistic3A_178, %logistic3A_176 : vector<8x256xf32>
      %logistic3A_180 = arith.divf %logistic3A_178, %logistic3A_179 : vector<8x256xf32>
      %slice3A_181 = vector.extract_strided_slice %get3A_162 {offsets = [0, 512], sizes = [8, 256], strides = [1, 1]} : vector<8x768xf32> to vector<8x256xf32>
      %slice3A_182 = vector.extract_strided_slice %add3A_159 {offsets = [0, 512], sizes = [8, 256], strides = [1, 1]} : vector<8x768xf32> to vector<8x256xf32>
      %mul3A_183 = arith.mulf %logistic3A_171, %slice3A_182 : vector<8x256xf32>
      %add3A_184 = arith.addf %slice3A_181, %mul3A_183 : vector<8x256xf32>
      %tanh3A_185 = math.tanh %add3A_184 : vector<8x256xf32>
      %sub3A_186 = arith.constant 1.000000e+00 : f32
      %sub3A_187 = vector.broadcast %sub3A_186 : f32 to vector<8x256xf32>
      %sub3A_188 = arith.subf %sub3A_187, %logistic3A_180 : vector<8x256xf32>
      %mul3A_189 = arith.mulf %sub3A_188, %tanh3A_185 : vector<8x256xf32>
      %mul3A_190 = arith.mulf %logistic3A_180, %get3A_148 : vector<8x256xf32>
      %add3A_191 = arith.addf %mul3A_189, %mul3A_190 : vector<8x256xf32>
      %swap3A_192 = arith.constant 0 : index
      %swap3A_193 = arith.constant 0 : index
      %swap3A_194 = vector.load %arg9[%swap3A_192, %swap3A_193] : memref<8x256xf32, #tpu.memory_space<vmem>>, vector<8x256xf32>
      tpu.vector_store %arg9[%swap3A_192, %swap3A_193], %add3A_191 {strides = array<i32>} : memref<8x256xf32, #tpu.memory_space<vmem>>, vector<8x256xf32>,
      %swap3A_195 = arith.index_cast %mul3A_145 : i32 to index
      %swap3A_196 = arith.constant 0 : index
      %swap3A_197 = vector.load %arg11[%swap3A_195, %swap3A_196] : memref<2048x256xf32, #tpu.memory_space<vmem>>, vector<8x256xf32>
      tpu.vector_store %arg11[%swap3A_195, %swap3A_196], %add3A_191 {strides = array<i32>} : memref<2048x256xf32, #tpu.memory_space<vmem>>, vector<8x256xf32>,
      %scan3A_198 = arith.constant 3 : i32
      %scan3A_199 = arith.addi %scan3A_36, %scan3A_198 : i32
      %mul3A_200 = arith.constant 8 : i32
      %mul3A_201 = arith.muli %scan3A_199, %mul3A_200 : i32
      %get3A_202 = arith.constant 0 : index
      %get3A_203 = arith.constant 0 : index
      %get3A_204 = vector.load %arg9[%get3A_202, %get3A_203] : memref<8x256xf32, #tpu.memory_space<vmem>>, vector<8x256xf32>
      %get3A_205 = arith.constant 0 : index
      %get3A_206 = arith.constant 0 : index
      %get3A_207 = vector.load %arg4[%get3A_205, %get3A_206] : memref<256x768xbf16, #tpu.memory_space<vmem>>, vector<256x768xbf16>
      %convert_element_type3A_208 = arith.truncf %get3A_204 : vector<8x256xf32> to vector<8x256xbf16>
      %dot_general3A_209 = arith.constant dense<0.000000e+00> : vector<8x768xf32>
      %dot_general3A_210 = tpu.matmul %convert_element_type3A_208, %get3A_207, %dot_general3A_209 {dimension_numbers = #tpu.dot_dimension_numbers<[1], [0], [0], [1], [0, 0, 1, 1], [], []>, transpose_lhs_hint = false} : vector<8x256xbf16>, vector<256x768xbf16>, vector<8x768xf32> -> vector<8x768xf32>
      %get3A_211 = arith.constant 0 : index
      %get3A_212 = arith.constant 0 : index
      %get3A_213 = vector.load %arg5[%get3A_211, %get3A_212] : memref<1x768xf32, #tpu.memory_space<vmem>>, vector<1x768xf32>
      %add3A_214 = vector.broadcast %get3A_213 : vector<1x768xf32> to vector<8x768xf32>
      %add3A_215 = arith.addf %dot_general3A_210, %add3A_214 : vector<8x768xf32>
      %get3A_216 = arith.index_cast %mul3A_201 : i32 to index
      %get3A_217 = arith.constant 0 : index
      %get3A_218 = vector.load %arg10[%get3A_216, %get3A_217] : memref<2048x768xf32, #tpu.memory_space<vmem>>, vector<8x768xf32>
      %slice3A_219 = vector.extract_strided_slice %get3A_218 {offsets = [0, 0], sizes = [8, 256], strides = [1, 1]} : vector<8x768xf32> to vector<8x256xf32>
      %slice3A_220 = vector.extract_strided_slice %add3A_215 {offsets = [0, 0], sizes = [8, 256], strides = [1, 1]} : vector<8x768xf32> to vector<8x256xf32>
      %add3A_221 = arith.addf %slice3A_219, %slice3A_220 : vector<8x256xf32>
      %logistic3A_222 = arith.negf %add3A_221 : vector<8x256xf32>
      %logistic3A_223 = math.exp %logistic3A_222 : vector<8x256xf32>
      %logistic3A_224 = arith.constant 1.000000e+00 : f32
      %logistic3A_225 = vector.broadcast %logistic3A_224 : f32 to vector<8x256xf32>
      %logistic3A_226 = arith.addf %logistic3A_225, %logistic3A_223 : vector<8x256xf32>
      %logistic3A_227 = arith.divf %logistic3A_225, %logistic3A_226 : vector<8x256xf32>
      %slice3A_228 = vector.extract_strided_slice %get3A_218 {offsets = [0, 256], sizes = [8, 256], strides = [1, 1]} : vector<8x768xf32> to vector<8x256xf32>
      %slice3A_229 = vector.extract_strided_slice %add3A_215 {offsets = [0, 256], sizes = [8, 256], strides = [1, 1]} : vector<8x768xf32> to vector<8x256xf32>
      %add3A_230 = arith.addf %slice3A_228, %slice3A_229 : vector<8x256xf32>
      %logistic3A_231 = arith.negf %add3A_230 : vector<8x256xf32>
      %logistic3A_232 = math.exp %logistic3A_231 : vector<8x256xf32>
      %logistic3A_233 = arith.constant 1.000000e+00 : f32
      %logistic3A_234 = vector.broadcast %logistic3A_233 : f32 to vector<8x256xf32>
      %logistic3A_235 = arith.addf %logistic3A_234, %logistic3A_232 : vector<8x256xf32>
      %logistic3A_236 = arith.divf %logistic3A_234, %logistic3A_235 : vector<8x256xf32>
      %slice3A_237 = vector.extract_strided_slice %get3A_218 {offsets = [0, 512], sizes = [8, 256], strides = [1, 1]} : vector<8x768xf32> to vector<8x256xf32>
      %slice3A_238 = vector.extract_strided_slice %add3A_215 {offsets = [0, 512], sizes = [8, 256], strides = [1, 1]} : vector<8x768xf32> to vector<8x256xf32>
      %mul3A_239 = arith.mulf %logistic3A_227, %slice3A_238 : vector<8x256xf32>
      %add3A_240 = arith.addf %slice3A_237, %mul3A_239 : vector<8x256xf32>
      %tanh3A_241 = math.tanh %add3A_240 : vector<8x256xf32>
      %sub3A_242 = arith.constant 1.000000e+00 : f32
      %sub3A_243 = vector.broadcast %sub3A_242 : f32 to vector<8x256xf32>
      %sub3A_244 = arith.subf %sub3A_243, %logistic3A_236 : vector<8x256xf32>
      %mul3A_245 = arith.mulf %sub3A_244, %tanh3A_241 : vector<8x256xf32>
      %mul3A_246 = arith.mulf %logistic3A_236, %get3A_204 : vector<8x256xf32>
      %add3A_247 = arith.addf %mul3A_245, %mul3A_246 : vector<8x256xf32>
      %swap3A_248 = arith.constant 0 : index
      %swap3A_249 = arith.constant 0 : index
      %swap3A_250 = vector.load %arg9[%swap3A_248, %swap3A_249] : memref<8x256xf32, #tpu.memory_space<vmem>>, vector<8x256xf32>
      tpu.vector_store %arg9[%swap3A_248, %swap3A_249], %add3A_247 {strides = array<i32>} : memref<8x256xf32, #tpu.memory_space<vmem>>, vector<8x256xf32>,
      %swap3A_251 = arith.index_cast %mul3A_201 : i32 to index
      %swap3A_252 = arith.constant 0 : index
      %swap3A_253 = vector.load %arg11[%swap3A_251, %swap3A_252] : memref<2048x256xf32, #tpu.memory_space<vmem>>, vector<8x256xf32>
      tpu.vector_store %arg11[%swap3A_251, %swap3A_252], %add3A_247 {strides = array<i32>} : memref<2048x256xf32, #tpu.memory_space<vmem>>, vector<8x256xf32>,
    }
    %scan3A_18 = arith.constant 256 : i32
    %get3A_19 = arith.constant 0 : index
    %get3A_20 = arith.constant 0 : index
    %get3A_21 = vector.load %arg11[%get3A_19, %get3A_20] : memref<2048x256xf32, #tpu.memory_space<vmem>>, vector<2048x256xf32>
    %get3A_22 = arith.constant 0 : index
    %get3A_23 = arith.constant 0 : index
    %get3A_24 = vector.load %arg6[%get3A_22, %get3A_23] : memref<256x256xbf16, #tpu.memory_space<vmem>>, vector<256x256xbf16>
    %convert_element_type3A_25 = arith.truncf %get3A_21 : vector<2048x256xf32> to vector<2048x256xbf16>
    %dot_general3A_26 = arith.constant dense<0.000000e+00> : vector<2048x256xf32>
    %dot_general3A_27 = tpu.matmul %convert_element_type3A_25, %get3A_24, %dot_general3A_26 {dimension_numbers = #tpu.dot_dimension_numbers<[1], [0], [0], [1], [0, 0, 1, 1], [], []>, transpose_lhs_hint = false} : vector<2048x256xbf16>, vector<256x256xbf16>, vector<2048x256xf32> -> vector<2048x256xf32>
    %get3A_28 = arith.constant 0 : index
    %get3A_29 = arith.constant 0 : index
    %get3A_30 = vector.load %arg7[%get3A_28, %get3A_29] : memref<1x256xf32, #tpu.memory_space<vmem>>, vector<1x256xf32>
    %add3A_31 = vector.broadcast %get3A_30 : vector<1x256xf32> to vector<2048x256xf32>
    %add3A_32 = arith.addf %dot_general3A_27, %add3A_31 : vector<2048x256xf32>
    %swap3A_33 = arith.constant 0 : index
    %swap3A_34 = arith.constant 0 : index
    %swap3A_35 = vector.load %arg8[%swap3A_33, %swap3A_34] : memref<2048x256xf32, #tpu.memory_space<vmem>>, vector<2048x256xf32>
    tpu.vector_store %arg8[%swap3A_33, %swap3A_34], %add3A_32 {strides = array<i32>} : memref<2048x256xf32, #tpu.memory_space<vmem>>, vector<2048x256xf32>,
    return
  }
  func.func @transform_0(%arg0: i32) -> (i32, i32) {
    %c0_i32 = arith.constant 0 : i32
    %c0_i32_0 = arith.constant 0 : i32
    return %arg0, %c0_i32 : i32, i32
  }
  func.func @transform_1(%arg0: i32) -> (i32, i32) {
    %c0_i32 = arith.constant 0 : i32
    %c0_i32_0 = arith.constant 0 : i32
    %c0_i32_1 = arith.constant 0 : i32
    return %c0_i32, %c0_i32_0 : i32, i32
  }
  func.func @transform_2(%arg0: i32) -> (i32, i32) {
    %c0_i32 = arith.constant 0 : i32
    %c0_i32_0 = arith.constant 0 : i32
    %c0_i32_1 = arith.constant 0 : i32
    return %c0_i32, %c0_i32_0 : i32, i32
  }
  func.func @transform_3(%arg0: i32) -> (i32, i32) {
    %c0_i32 = arith.constant 0 : i32
    %c0_i32_0 = arith.constant 0 : i32
    %c0_i32_1 = arith.constant 0 : i32
    return %c0_i32, %c0_i32_0 : i32, i32
  }
  func.func @transform_4(%arg0: i32) -> (i32, i32) {
    %c0_i32 = arith.constant 0 : i32
    %c0_i32_0 = arith.constant 0 : i32
    %c0_i32_1 = arith.constant 0 : i32
    return %c0_i32, %c0_i32_0 : i32, i32
  }
  func.func @transform_5(%arg0: i32) -> (i32, i32) {
    %c0_i32 = arith.constant 0 : i32
    %c0_i32_0 = arith.constant 0 : i32
    %c0_i32_1 = arith.constant 0 : i32
    return %c0_i32, %c0_i32_0 : i32, i32
  }
  func.func @transform_6(%arg0: i32) -> (i32, i32) {
    %c0_i32 = arith.constant 0 : i32
    %c0_i32_0 = arith.constant 0 : i32
    %c0_i32_1 = arith.constant 0 : i32
    return %c0_i32, %c0_i32_0 : i32, i32
  }
  func.func @transform_7(%arg0: i32) -> (i32, i32) {
    %c0_i32 = arith.constant 0 : i32
    %c0_i32_0 = arith.constant 0 : i32
    return %arg0, %c0_i32 : i32, i32
  }
}

</mosaic_0001>

<sc_bundles>
// kernel: kernel.6.cloned.1.call-start
scs
__scs_entry_jumppad:
0x0: {  	(pc) =	sbr.rel $0x88, $3  }
0x1: {  	(tag) =	ssettag $0x0;
	lr =	simm.s32 $0x1  }
0x2: {  	[smem:$0x3F95] =	sst lr;
	_ =	strace $0xD0000000  }
0x3: {  	_ = 	snop  }
0x4: {  	_ = 	snop  }
0x5: {  	_ = 	snop  }
0x6: {  	_ = 	snop  }
0x7: {  	_ = 	snop  }
__scs_overlays_trampoline_lowered:
0x8: {  	[smem:$0x3FA4] =	sst s0  }
0x9: {  	[smem:$0x3FA5] =	sst s1  }
0xa: {  	[smem:$0x3FA6] =	sst s2  }
0xb: {  	[smem:$0x3FA7] =	sst s3  }
0xc: {  	[smem:$0x3FA8] =	sst s4  }
0xd: {  	[smem:$0x3FA9] =	sst s5  }
0xe: {  	[smem:$0x3FAA] =	sst s6  }
0xf: {  	[smem:$0x3FAB] =	sst s7  }
0x10: {  	[smem:$0x3FAC] =	sst s8  }
0x11: {  	[smem:$0x3FAD] =	sst s9;
	s0 =	simm.s32 @!p0 $0x0  }
0x12: {  	s1 =	sld [smem:$0x3F93];
	s0 =	simm.s32 @p0 $0x1  }
0x13: {  	[smem:$0x3FAE] =	sst s0;
	s0 =	simm.s32 @!p1 $0x0  }
0x14: {  	s2 =	sld [smem:$0x3F92];
	s0 =	simm.s32 @p1 $0x1  }
0x15: {  	[smem:$0x3FAF] =	sst s0;
	s0 =	simm.s32 @!p2 $0x0  }
0x16: {  	s3 =	sld [smem:$0x3FDB];
	s0 =	simm.s32 @p2 $0x1  }
0x17: {  	s4 =	simm.s32 $0x1BF5;
	[smem:$0x3FB1] =	sst s0  }
0x18: {  	s0 =	sld [smem:$0x3F94];
	_ =	swait.ge [sflag:s4], $0x0  }
0x19: {  	s7 =	sld [smem:$0x3F95]  }
0x1a: {  	s8 =	sadd.s32 $0xFFFFE003, lr  }
0x1b: {  	s9 =	sadd.s32 $0xFFFFFEF7, lr;
	s5 =	simm.s32 $0xFFFFFFFF;
	p2 =	slt.u32 s8, $0xFFFFF086  }
0x1c: {  	p1 =	slt.u32 s9, $0xF7A;
	s5 =	simm.s32 @!p2 $0x0  }
0x1d: {  	s5 =	simm.s32 @p1 $0x1;
	p0 =	seq.s32 s7, s2  }
0x1e: {  	s7 =	smul.u32 @!p0 $0xF7A, s2;
	p2 =	seq.s32 @!p0 s5, $0x0  }
0x1f: {  	s9 =	smul.u32 $0xF7A, s1;
	s8 =	simm.s32 @!p0 $0x1BF5;
	p2 =	por !p2, p0  }
0x20: {  	[sflag:s8] =	ssyncset.s32 @!p0 $0xFFFFF086;
	s6 =	sadd.s32 @!p0 s3, s7;
	s7 =	simm.s32 @!p0 $0x108  }
0x21: {  	s3 =	sadd.s32 s3, s9;
	s6 =	sadd.s32 @!p0 $0x88, s6;
	s7 =	simm.s32 @p2 $0x1082  }
0x22: {  	[simem:s7], [sflag:s8] =	dma.local @!p0 [hbm:s6], $0xF7A  }
0x23: {  	s9 =	sor.u32 $0xD0000000, s2;
	s6 =	simm.s32 $0x108;
	_ =	swait.ge @!p0 [sflag:s8], $0x0  }
0x24: {  	s3 =	sadd.s32 $0x88, s3;
	s6 =	simm.s32 @!p1 $0x1082;
	[sflag:s4] =	ssyncset.s32 $0xFFFFF086  }
0x25: {  	[simem:s6], [sflag:s4] =	dma.local [hbm:s3], $0xF7A  }
0x26: {  	[smem:$0x3F95] =	sst s1;
	(tag) =	ssettag s2;
	_ =	strace s9  }
0x27: {  	s1 =	sld [smem:$0x3FA5]  }
0x28: {  	s2 =	sld [smem:$0x3FA6]  }
0x29: {  	s4 =	sld [smem:$0x3FA8]  }
0x2a: {  	p0 =	seq.s32 s5, $0x0;
	s5 =	sld [smem:$0x3FA9]  }
0x2b: {  	s6 =	sld [smem:$0x3FAA]  }
0x2c: {  	s7 =	sld [smem:$0x3FAB]  }
0x2d: {  	s3 =	simm.s32 $0x108;
	s8 =	sld [smem:$0x3FAC]  }
0x2e: {  	s3 =	simm.s32 @!p0 $0x1082;
	s9 =	sld [smem:$0x3FAD]  }
0x2f: {  	lr =	sadd.s32 s0, s3;
	s0 =	sld [smem:$0x3FA4]  }
0x30: {  	s3 =	sld [smem:$0x3FA7]  }
0x31: {  	[smem:$0x3FB0] =	sst s10  }
0x32: {  	s10 =	sld [smem:$0x3FAE];
	_ =	sdelay $0x3  }
0x33: {  	p0 =	seq.s32 s10, $0x1;
	s10 =	sld [smem:$0x3FB0];
	_ =	sdelay $0x3  }
0x34: {  	[smem:$0x3FB0] =	sst s10  }
0x35: {  	s10 =	sld [smem:$0x3FAF];
	_ =	sdelay $0x3  }
0x36: {  	p1 =	seq.s32 s10, $0x1;
	s10 =	sld [smem:$0x3FB0];
	_ =	sdelay $0x3  }
0x37: {  	[smem:$0x3FB0] =	sst s10  }
0x38: {  	s10 =	sld [smem:$0x3FB1]  }
0x39: {  	_ = 	snop;
	(pc) =	sbr.ind lr, $3  }
0x3a: {  	_ = 	snop  }
0x3b: {  	_ = 	snop  }
0x3c: {  	p2 =	seq.s32 s10, $0x1;
	s10 =	sld [smem:$0x3FB0]  }
0x3d: {  	_ =	shalt  }
0x3e: {  	_ =	shalt  }
0x3f: {  	_ =	shalt  }
0x40: {  	_ =	shalt  }
0x41: {  	_ =	shalt  }
0x42: {  	_ =	shalt  }
0x43: {  	_ =	shalt  }
0x44: {  	_ =	shalt  }
0x45: {  	_ =	shalt  }
0x46: {  	_ =	shalt  }
0x47: {  	_ =	shalt  }
0x48: {  	_ =	shalt  }
0x49: {  	_ =	shalt  }
0x4a: {  	_ =	shalt  }
0x4b: {  	_ =	shalt  }
0x4c: {  	_ =	shalt  }
0x4d: {  	_ =	shalt  }
0x4e: {  	_ =	shalt  }
0x4f: {  	_ =	shalt  }
0x50: {  	_ =	shalt  }
0x51: {  	_ =	shalt  }
0x52: {  	_ =	shalt  }
0x53: {  	_ =	shalt  }
0x54: {  	_ =	shalt  }
0x55: {  	_ =	shalt  }
0x56: {  	_ =	shalt  }
0x57: {  	_ =	shalt  }
0x58: {  	_ =	shalt  }
0x59: {  	_ =	shalt  }
0x5a: {  	_ =	shalt  }
0x5b: {  	_ =	shalt  }
0x5c: {  	_ =	shalt  }
0x5d: {  	_ =	shalt  }
0x5e: {  	_ =	shalt  }
0x5f: {  	_ =	shalt  }
0x60: {  	_ =	shalt  }
0x61: {  	_ =	shalt  }
0x62: {  	_ =	shalt  }
0x63: {  	_ =	shalt  }
0x64: {  	_ =	shalt  }
0x65: {  	_ =	shalt  }
0x66: {  	_ =	shalt  }
0x67: {  	_ =	shalt  }
0x68: {  	_ =	shalt  }
0x69: {  	_ =	shalt  }
0x6a: {  	_ =	shalt  }
0x6b: {  	_ =	shalt  }
0x6c: {  	_ =	shalt  }
0x6d: {  	_ =	shalt  }
0x6e: {  	_ =	shalt  }
0x6f: {  	_ =	shalt  }
0x70: {  	_ =	shalt  }
0x71: {  	_ =	shalt  }
0x72: {  	_ =	shalt  }
0x73: {  	_ =	shalt  }
0x74: {  	_ =	shalt  }
0x75: {  	_ =	shalt  }
0x76: {  	_ =	shalt  }
0x77: {  	_ =	shalt  }
0x78: {  	_ =	shalt  }
0x79: {  	_ =	shalt  }
0x7a: {  	_ =	shalt  }
0x7b: {  	_ =	shalt  }
0x7c: {  	_ =	shalt  }
0x7d: {  	_ =	shalt  }
0x7e: {  	_ =	shalt  }
0x7f: {  	_ =	shalt  }
0x80: {  	_ =	shalt  }
0x81: {  	_ =	shalt  }
0x82: {  	_ =	shalt  }
0x83: {  	_ =	shalt  }
0x84: {  	_ =	shalt  }
0x85: {  	_ =	shalt  }
0x86: {  	_ =	shalt  }
0x87: {  	_ =	shalt  }
.Lfunc_end0:
.L_simem_size_0:
called_computation_lowered:
.L_overlay_start_0:
0x88: {  	s2 =	sld [smem:$0x3FD9]  }
0x89: {  	s3 =	sld [smem:$0x3FFE];
	_ =	sdelay $0x1  }
0x8a: {  	s1 =	srdreg.scid  }
0x8b: {  	s0 =	sand.u32 $0x1, s1  }
0x8c: {  	s15 =	sshll.u32 s0, $0xA;
	s2 =	sadd.s32 s3, s2  }
0x8d: {  	s2 =	sadd.s32 s2, s15  }
0x8e: {  	[smem:$0x3FBC] =	sst s2  }
0x8f: {  	_ = 	snop  }
0x90: {  	s2 =	sld [smem:$0x3FD0];
	_ =	sdelay $0x2  }
0x91: {  	s4 =	simm.s32 $0xA;
	s5 =	simm.s32 $0x10;
	s16 =	sld [smem:$0x3FC4]  }
0x92: {  	[smem:s5], [sflag:s4] =	dma.local [hbm:s2], $0x1  }
0x93: {  	_ =	swait.eq [sflag:s4], $0x1  }
0x94: {  	[sflag:s4] =	ssyncset.done $0x0  }
0x95: {  	s17 =	sld [smem:$0x10];
	[sflag:s4] =	ssyncadd.s32 $0xFFFFFFFF  }
0x96: {  	s18 =	sld [smem:$0x11];
	(tm) =	ssettm $0x1  }
0x97: {  	s19 =	sld [smem:$0x3FFB];
	_ =	sdelay $0x3  }
0x98: {  	_ =	strace s19  }
0x99: {  	s5 =	sld [smem:$0x3FFC];
	_ =	sdelay $0x3  }
0x9a: {  	_ =	strace s5  }
0x9b: {  	s5 =	sld [smem:$0x3FFD];
	_ =	sdelay $0x3  }
0x9c: {  	_ =	strace s5  }
0x9d: {  	_ =	strace $0x8FFFFFFF  }
0x9e: {  	s20 =	sld [smem:$0x3FDB];
	_ =	sdelay $0x1  }
0x9f: {  	s6 =	simm.s32 $_scs_section_size  }
0xa0: {  	s7 =	simm.s32 $_size__tile_overlayer_lowered;
	s8 =	simm.s32 $_tile_overlayer_lowered  }
0xa1: {  	s23 =	simm.s32 $0x1BFF;
	s22 =	sshll.u32 s8, $0x1;
	s5 =	sadd.s32 s6, s20  }
0xa2: {  	s9 =	simm.s32 $0x0;
	s21 =	sshll.u32 s7, $0x1;
	s7 =	sadd.s32 s22, s5  }
0xa3: {  	[timem:s9], [sflag:s23] =	dma.local [hbm:s7], s21  }
0xa4: {  	_ =	swait.ge [sflag:s23], s21  }
0xa5: {  	s6 =	ssub.s32 $0x0, s21;
	[sflag:s23] =	ssyncset.done $0x0  }
0xa6: {  	[sflag:s23] =	ssyncadd.s32 s6;
	_ =	sdelay $0x1  }
0xa7: {  	s24 =	simm.s32 $0x1B8B  }
0xa8: {  	_ =	swait.ge [sflag:s24], $0x1  }
0xa9: {  	[sflag:s24] =	ssyncset.done $0x0  }
0xaa: {  	s25 =	simm.s32 $0x1B8E;
	[sflag:s24] =	ssyncadd.s32 $0xFFFFFFFF  }
0xab: {  	s26 =	simm.s32 $execute0_lowered;
	[smem:$0x3FD2] =	sst s25  }
0xac: {  	s6 =	sshll.u32 s26, $0x1;
	_ =	strace $0x80000046;
	[dreg:$0x1] =	wrdreg $0xFFFFFFFF  }
0xad: {  	s28 =	simm.s32 $_size_execute0_lowered;
	s5 =	sadd.s32 s5, s6;
	[dreg:$0x0] =	wrdreg $0x0  }
0xae: {  	s6 =	sshll.u32 s28, $0x1;
	[dreg:$0x2] =	wrdreg s5  }
0xaf: {  	[dreg:$0x3] =	wrdreg s6  }
0xb0: {  	[dreg:$0x4] =	wrdreg $0xC0  }
0xb1: {  	_ =	task [dreg:s9], $0x5FFFF  }
0xb2: {  	[dreg:$0x1] =	wrdreg $0xFFFFFFFF  }
0xb3: {  	[dreg:$0x0] =	wrdreg $0x60  }
0xb4: {  	[dreg:$0x2] =	wrdreg s16  }
0xb5: {  	[dreg:$0x3] =	wrdreg s18  }
0xb6: {  	[dreg:$0x4] =	wrdreg s17  }
0xb7: {  	[dreg:$0x5] =	wrdreg $0x9  }
0xb8: {  	_ =	task.clear_ibuf [dreg:s9], $0x6FFFF;
	_ =	strace $0x90000046  }
0xb9: {  	s29 =	simm.s32 $0x9;
	_ =	strace $0x80000048  }
0xba: {  	_ =	swait.ge [sflag:s29], $0x1  }
0xbb: {  	[sflag:s29] =	ssyncadd.s32 $0xFFFFFFFF  }
0xbc: {  	_ =	strace $0x90000048  }
0xbd: {  	_ =	sfence  }
0xbe: {  	s30 =	sld [smem:$0x0];
	_ =	sdelay $0x2  }
0xbf: {  	s31 =	sshll.u32 s1, $0xD;
	s1 =	sshrl.u32 s1, $0x2  }
0xc0: {  	s3 =	sand.u32 $0x4000, s31;
	s1 =	sadd.s32 s1, s30  }
0xc1: {  	s0 =	sor.u32 s3, s0;
	s1 =	sshll.u32 s1, $0x11  }
0xc2: {  	s0 =	sor.u32 s1, s0  }
0xc3: {  	s0 =	sadd.s32 $0x8F2B, s0  }
0xc4: {  	[sflag:s0] =	ssyncadd.remote.s32 $0x1  }
0xc5: {  	_ =	sfence.sel $0xFFFF  }
0xc6: {  	[dreg:$0x0] =	wrdreg $0xFFFFFFFF;
	(pc) =	sbr.abs _section_cstart, $3  }
0xc7: {  	[dreg:$0x1] =	wrdreg $0xFFFFFFFF  }
0xc8: {  	_ =	task.clear_ibuf [dreg:s9], $0x2FFFF;
	_ =	strace $0x9FFFFFFF  }
0xc9: {  	(tm) =	ssettm $0x7FFFFFFF  }
tec
execute0_lowered:
.L_overlay_start_1:
0x0: {  	(tag) =	ssettag $0x1  }
0x1: {  	s1 =	rddreg [dreg:$0x0]  }
0x2: {  	s4 =	rddreg [dreg:$0x1]  }
0x3: {  	s2 =	srdreg.scid;
	s5 =	rddreg [dreg:$0x2];
	s3 =	simm.s32 $0x0  }
0x4: {  	s0 =	stileid.u32;
	s15 =	simm.s32 $0x80;
	[smem:$0x7FF] =	sst s3  }
0x5: {  	s16 =	simm.s32 $0x900;
	_ =	strace $0x80000047;
	[dreg:$0x8] =	wrdreg s15  }
0x6: {  	s17 =	simm.s32 $0x1100;
	s18 =	simm.s32 $0x1900;
	[dreg:$0x9] =	wrdreg s16  }
0x7: {  	s19 =	simm.s32 $0x2100;
	s20 =	simm.s32 $0x2900;
	[dreg:$0xa] =	wrdreg s17  }
0x8: {  	s21 =	simm.s32 $0x3100;
	s23 =	simm.s32 $0x3900;
	[dreg:$0xb] =	wrdreg s18  }
0x9: {  	s24 =	simm.s32 $0x4100;
	s25 =	simm.s32 $0x4900;
	[dreg:$0xc] =	wrdreg s19  }
0xa: {  	s26 =	simm.s32 $0x5100;
	s10 =	simm.s32 $0x7100;
	[dreg:$0xd] =	wrdreg s20  }
0xb: {  	s11 =	simm.s32 $0x7900;
	s28 =	simm.s32 $0xF900;
	[dreg:$0xe] =	wrdreg s21  }
0xc: {  	s29 =	simm.s32 $0x1;
	s30 =	simm.s32 $0x2;
	[dreg:$0xf] =	wrdreg s23  }
0xd: {  	s31 =	simm.s32 $0x3;
	s2 =	sand.u32 $0x1, s2;
	[dreg:$0x10] =	wrdreg s24  }
0xe: {  	s6 =	sshll.u32 s0, $0x9;
	s7 =	sshll.u32 s2, $0x8;
	[dreg:$0x11] =	wrdreg s25  }
0xf: {  	s2 =	ssub.s32 $0x2, s2;
	[dreg:$0x12] =	wrdreg s26;
	s15 =	simm.s32 $0x9900  }
0x10: {  	s16 =	simm.s32 $0xA100;
	s17 =	simm.s32 $0xA900;
	s18 =	simm.s32 $0xB100  }
0x11: {  	s19 =	simm.s32 $0xB900;
	s20 =	simm.s32 $0xC100;
	s21 =	simm.s32 $0xC900  }
0x12: {  	s23 =	simm.s32 $0xD900;
	s24 =	simm.s32 $0xE100;
	s25 =	simm.s32 $0xE900  }
0x13: {  	s26 =	simm.s32 $0xF100;
	s6 =	sor.u32 s7, s6;
	s22 =	sshrl.u32 s2, $0x1  }
0x14: {  	s7 =	sshrl.u32 s6, $0x3;
	s8 =	sor.u32 $0x80, s6;
	s6 =	sshll.u32 s6, $0x5  }
0x15: {  	s2 =	ssub.s32 s2, s22;
	s22 =	simm.s32 $0xD100;
	s7 =	sadd.s32 s4, s7  }
0x16: {  	s9 =	sshrl.u32 s8, $0x3;
	s12 =	sadd.s32 s5, s6;
	s13 =	sshll.u32 s8, $0x5  }
0x17: {  	s6 =	simm.s32 $0x100;
	s8 =	simm.s32 $0x6100;
	[dreg:$0x4] =	wrdreg s7  }
0x18: {  	s4 =	sadd.s32 s4, s9;
	[dreg:$0x6] =	wrdreg s12;
	s14 =	sadd.s32 s5, s13  }
0x19: {  	v2 =	vlaneseq.u32;
	s5 =	simm.s32 $0x5;
	s9 =	simm.s32 $0x6900;
	[dreg:$0x5] =	wrdreg s4  }
0x1a: {  	vm0 =	vmmov $0xffff;
	v1 =	vshrl.u32 v2, $0x3;
	s12 =	simm.s32 $0x8100;
	s13 =	simm.s32 $0x8900;
	[dreg:$0x7] =	wrdreg s14  }
0x1b: {  	v0 =	vand.u32 $0x7, v2;
	v2 =	vor.u32 $0x8, v2;
	v1 =	vmul.u32 $0x8, v1;
	s4 =	smax.u32 s2, $0x1;
	s14 =	simm.s32 $0x9100;
	s2 =	simm.s32 $0x4  }
.LBB2_1:
0x1c: {  	s0 =	rddreg [dreg:$0x4]  }
0x1d: {  	[tilespmem:s3], [sflag:$0x5] =	stream.linear.gather [hbm4b:s0+s3], $0x80, $0x38;
	[tilespmem:$0x10100] =	vst v63  }
0x1e: {  	_ =	swait.ge [sflag:s5], $0x80  }
0x1f: {  	s0 =	rddreg [dreg:$0x5];
	[sflag:s5] =	ssyncset.done $0x0  }
0x20: {  	s7 =	rddreg [dreg:$0x8];
	[sflag:s5] =	ssyncadd.s32 $0xFFFFFF80  }
0x21: {  	[tilespmem:s7], [sflag:$0x5] =	stream.linear.gather [hbm4b:s0+s3], $0x80, $0x38;
	[tilespmem:$0x10100] =	vst v63  }
0x22: {  	_ =	swait.ge [sflag:s5], $0x80  }
0x23: {  	[sflag:s5] =	ssyncset.done $0x0  }
0x24: {  	[sflag:s5] =	ssyncadd.s32 $0xFFFFFF80  }
0x25: {  	v3 =	vld [tilespmem:$0x0];
	_ =	sdelay $0x4  }
0x26: {  	v4 =	vshll.u32 v3, $0x1  }
0x27: {  	v3 =	vand.u32 $0x7, v3;
	v4 =	vand.u32 $0xFFFFFFF0, v4  }
0x28: {  	v3 =	vor.u32 v3, v4  }
0x29: {  	v4 =	vperm.xlane v3, v0;
	_ =	sdelay $0x1  }
0x2a: {  	v3 =	vperm.xlane v3, v2;
	v4 =	vadd.s32 v1, v4;
	_ =	sdelay $0x1  }
0x2b: {  	v3 =	vadd.s32 v1, v3;
	_ =	sdelay $0x2  }
0x2c: {  	[tilespmem:s6], [sflag:$0x1] =	stream.indirect_vreg.gather [hbm4b:s1+s3], $0x80, v4, vm0, $0xb8;
	[tilespmem:$0x10100] =	vst v63  }
0x2d: {  	s7 =	rddreg [dreg:$0x9]  }
0x2e: {  	[tilespmem:s7], [sflag:$0x1] =	stream.indirect_vreg.gather [hbm4b:s1+s3], $0x80, v3, vm0, $0xb8;
	[tilespmem:$0x10100] =	vst v63  }
0x2f: {  	v3 =	vld [tilespmem:$0x10];
	_ =	sdelay $0x4  }
0x30: {  	v49 =	vshll.u32 v3, $0x1  }
0x31: {  	v3 =	vand.u32 $0x7, v3;
	v4 =	vand.u32 $0xFFFFFFF0, v49  }
0x32: {  	v3 =	vor.u32 v3, v4  }
0x33: {  	v4 =	vperm.xlane v3, v0;
	_ =	sdelay $0x1  }
0x34: {  	v3 =	vperm.xlane v3, v2;
	v4 =	vadd.s32 v1, v4;
	_ =	sdelay $0x1  }
0x35: {  	v3 =	vadd.s32 v1, v3;
	_ =	sdelay $0x1  }
0x36: {  	s0 =	rddreg [dreg:$0xa]  }
0x37: {  	[tilespmem:s0], [sflag:$0x1] =	stream.indirect_vreg.gather [hbm4b:s1+s3], $0x80, v4, vm0, $0xb8;
	[tilespmem:$0x10100] =	vst v63  }
0x38: {  	s7 =	rddreg [dreg:$0xb]  }
0x39: {  	[tilespmem:s7], [sflag:$0x1] =	stream.indirect_vreg.gather [hbm4b:s1+s3], $0x80, v3, vm0, $0xb8;
	[tilespmem:$0x10100] =	vst v63  }
0x3a: {  	v3 =	vld [tilespmem:$0x20];
	_ =	sdelay $0x4  }
0x3b: {  	v50 =	vshll.u32 v3, $0x1  }
0x3c: {  	v3 =	vand.u32 $0x7, v3;
	v4 =	vand.u32 $0xFFFFFFF0, v50  }
0x3d: {  	v3 =	vor.u32 v3, v4  }
0x3e: {  	v4 =	vperm.xlane v3, v0;
	_ =	sdelay $0x1  }
0x3f: {  	v3 =	vperm.xlane v3, v2;
	v4 =	vadd.s32 v1, v4;
	_ =	sdelay $0x1  }
0x40: {  	v3 =	vadd.s32 v1, v3;
	_ =	sdelay $0x1  }
0x41: {  	s0 =	rddreg [dreg:$0xc]  }
0x42: {  	[tilespmem:s0], [sflag:$0x1] =	stream.indirect_vreg.gather [hbm4b:s1+s3], $0x80, v4, vm0, $0xb8;
	[tilespmem:$0x10100] =	vst v63  }
0x43: {  	s7 =	rddreg [dreg:$0xd]  }
0x44: {  	[tilespmem:s7], [sflag:$0x1] =	stream.indirect_vreg.gather [hbm4b:s1+s3], $0x80, v3, vm0, $0xb8;
	[tilespmem:$0x10100] =	vst v63  }
0x45: {  	v3 =	vld [tilespmem:$0x30];
	_ =	sdelay $0x4  }
0x46: {  	v51 =	vshll.u32 v3, $0x1  }
0x47: {  	v3 =	vand.u32 $0x7, v3;
	v4 =	vand.u32 $0xFFFFFFF0, v51  }
0x48: {  	v3 =	vor.u32 v3, v4  }
0x49: {  	v4 =	vperm.xlane v3, v0;
	_ =	sdelay $0x1  }
0x4a: {  	v3 =	vperm.xlane v3, v2;
	v4 =	vadd.s32 v1, v4;
	_ =	sdelay $0x1  }
0x4b: {  	v3 =	vadd.s32 v1, v3;
	_ =	sdelay $0x1  }
0x4c: {  	s0 =	rddreg [dreg:$0xe]  }
0x4d: {  	[tilespmem:s0], [sflag:$0x1] =	stream.indirect_vreg.gather [hbm4b:s1+s3], $0x80, v4, vm0, $0xb8;
	[tilespmem:$0x10100] =	vst v63  }
0x4e: {  	s7 =	rddreg [dreg:$0xf]  }
0x4f: {  	[tilespmem:s7], [sflag:$0x1] =	stream.indirect_vreg.gather [hbm4b:s1+s3], $0x80, v3, vm0, $0xb8;
	[tilespmem:$0x10100] =	vst v63  }
0x50: {  	v3 =	vld [tilespmem:$0x40];
	_ =	sdelay $0x4  }
0x51: {  	v52 =	vshll.u32 v3, $0x1  }
0x52: {  	v3 =	vand.u32 $0x7, v3;
	v4 =	vand.u32 $0xFFFFFFF0, v52  }
0x53: {  	v3 =	vor.u32 v3, v4  }
0x54: {  	v4 =	vperm.xlane v3, v0;
	_ =	sdelay $0x1  }
0x55: {  	v3 =	vperm.xlane v3, v2;
	v4 =	vadd.s32 v1, v4;
	_ =	sdelay $0x1  }
0x56: {  	v3 =	vadd.s32 v1, v3;
	_ =	sdelay $0x1  }
0x57: {  	s0 =	rddreg [dreg:$0x10]  }
0x58: {  	[tilespmem:s0], [sflag:$0x1] =	stream.indirect_vreg.gather [hbm4b:s1+s3], $0x80, v4, vm0, $0xb8;
	[tilespmem:$0x10100] =	vst v63  }
0x59: {  	s7 =	rddreg [dreg:$0x11]  }
0x5a: {  	[tilespmem:s7], [sflag:$0x1] =	stream.indirect_vreg.gather [hbm4b:s1+s3], $0x80, v3, vm0, $0xb8;
	[tilespmem:$0x10100] =	vst v63  }
0x5b: {  	v3 =	vld [tilespmem:$0x50];
	_ =	sdelay $0x4  }
0x5c: {  	v53 =	vshll.u32 v3, $0x1  }
0x5d: {  	v3 =	vand.u32 $0x7, v3;
	v4 =	vand.u32 $0xFFFFFFF0, v53  }
0x5e: {  	v3 =	vor.u32 v3, v4  }
0x5f: {  	v4 =	vperm.xlane v3, v0;
	_ =	sdelay $0x1  }
0x60: {  	v3 =	vperm.xlane v3, v2;
	v4 =	vadd.s32 v1, v4;
	_ =	sdelay $0x1  }
0x61: {  	v3 =	vadd.s32 v1, v3;
	_ =	sdelay $0x1  }
0x62: {  	s7 =	rddreg [dreg:$0x12]  }
0x63: {  	[tilespmem:s7], [sflag:$0x1] =	stream.indirect_vreg.gather [hbm4b:s1+s3], $0x80, v4, vm0, $0xb8;
	[tilespmem:$0x10100] =	vst v63  }
0x64: {  	s7 =	simm.s32 $0x5900  }
0x65: {  	[tilespmem:s7], [sflag:$0x1] =	stream.indirect_vreg.gather [hbm4b:s1+s3], $0x80, v3, vm0, $0xb8;
	[tilespmem:$0x10100] =	vst v63  }
0x66: {  	v3 =	vld [tilespmem:$0x60];
	_ =	sdelay $0x4  }
0x67: {  	v54 =	vshll.u32 v3, $0x1  }
0x68: {  	v3 =	vand.u32 $0x7, v3;
	v4 =	vand.u32 $0xFFFFFFF0, v54  }
0x69: {  	v3 =	vor.u32 v3, v4  }
0x6a: {  	v4 =	vperm.xlane v3, v0;
	_ =	sdelay $0x1  }
0x6b: {  	v3 =	vperm.xlane v3, v2;
	v4 =	vadd.s32 v1, v4;
	_ =	sdelay $0x1  }
0x6c: {  	v3 =	vadd.s32 v1, v3;
	_ =	sdelay $0x2  }
0x6d: {  	[tilespmem:s8], [sflag:$0x1] =	stream.indirect_vreg.gather [hbm4b:s1+s3], $0x80, v4, vm0, $0xb8;
	[tilespmem:$0x10100] =	vst v63  }
0x6e: {  	_ = 	snop  }
0x6f: {  	[tilespmem:s9], [sflag:$0x1] =	stream.indirect_vreg.gather [hbm4b:s1+s3], $0x80, v3, vm0, $0xb8;
	[tilespmem:$0x10100] =	vst v63  }
0x70: {  	v3 =	vld [tilespmem:$0x70];
	_ =	sdelay $0x4  }
0x71: {  	v55 =	vshll.u32 v3, $0x1  }
0x72: {  	v3 =	vand.u32 $0x7, v3;
	v4 =	vand.u32 $0xFFFFFFF0, v55  }
0x73: {  	v3 =	vor.u32 v3, v4  }
0x74: {  	v4 =	vperm.xlane v3, v0;
	_ =	sdelay $0x1  }
0x75: {  	v3 =	vperm.xlane v3, v2;
	v4 =	vadd.s32 v1, v4;
	_ =	sdelay $0x1  }
0x76: {  	v3 =	vadd.s32 v1, v3;
	_ =	sdelay $0x2  }
0x77: {  	[tilespmem:s10], [sflag:$0x1] =	stream.indirect_vreg.gather [hbm4b:s1+s3], $0x80, v4, vm0, $0xb8;
	[tilespmem:$0x10100] =	vst v63  }
0x78: {  	_ = 	snop  }
0x79: {  	[tilespmem:s11], [sflag:$0x1] =	stream.indirect_vreg.gather [hbm4b:s1+s3], $0x80, v3, vm0, $0xb8;
	[tilespmem:$0x10100] =	vst v63  }
0x7a: {  	v3 =	vld [tilespmem:$0x80];
	_ =	sdelay $0x4  }
0x7b: {  	v56 =	vshll.u32 v3, $0x1  }
0x7c: {  	v3 =	vand.u32 $0x7, v3;
	v4 =	vand.u32 $0xFFFFFFF0, v56  }
0x7d: {  	v3 =	vor.u32 v3, v4  }
0x7e: {  	v4 =	vperm.xlane v3, v0;
	_ =	sdelay $0x1  }
0x7f: {  	v3 =	vperm.xlane v3, v2;
	v4 =	vadd.s32 v1, v4;
	_ =	sdelay $0x1  }
0x80: {  	v3 =	vadd.s32 v1, v3;
	_ =	sdelay $0x2  }
0x81: {  	[tilespmem:s12], [sflag:$0x2] =	stream.indirect_vreg.gather [hbm4b:s1+s3], $0x80, v4, vm0, $0xb8;
	[tilespmem:$0x10100] =	vst v63  }
0x82: {  	_ = 	snop  }
0x83: {  	[tilespmem:s13], [sflag:$0x2] =	stream.indirect_vreg.gather [hbm4b:s1+s3], $0x80, v3, vm0, $0xb8;
	[tilespmem:$0x10100] =	vst v63  }
0x84: {  	v3 =	vld [tilespmem:$0x90];
	_ =	sdelay $0x4  }
0x85: {  	v57 =	vshll.u32 v3, $0x1  }
0x86: {  	v3 =	vand.u32 $0x7, v3;
	v4 =	vand.u32 $0xFFFFFFF0, v57  }
0x87: {  	v3 =	vor.u32 v3, v4  }
0x88: {  	v4 =	vperm.xlane v3, v0;
	_ =	sdelay $0x1  }
0x89: {  	v3 =	vperm.xlane v3, v2;
	v4 =	vadd.s32 v1, v4;
	_ =	sdelay $0x1  }
0x8a: {  	v3 =	vadd.s32 v1, v3;
	_ =	sdelay $0x2  }
0x8b: {  	[tilespmem:s14], [sflag:$0x2] =	stream.indirect_vreg.gather [hbm4b:s1+s3], $0x80, v4, vm0, $0xb8;
	[tilespmem:$0x10100] =	vst v63  }
0x8c: {  	_ = 	snop  }
0x8d: {  	[tilespmem:s15], [sflag:$0x2] =	stream.indirect_vreg.gather [hbm4b:s1+s3], $0x80, v3, vm0, $0xb8;
	[tilespmem:$0x10100] =	vst v63  }
0x8e: {  	v3 =	vld [tilespmem:$0xA0];
	_ =	sdelay $0x4  }
0x8f: {  	v58 =	vshll.u32 v3, $0x1  }
0x90: {  	v3 =	vand.u32 $0x7, v3;
	v4 =	vand.u32 $0xFFFFFFF0, v58  }
0x91: {  	v3 =	vor.u32 v3, v4  }
0x92: {  	v4 =	vperm.xlane v3, v0;
	_ =	sdelay $0x1  }
0x93: {  	v3 =	vperm.xlane v3, v2;
	v4 =	vadd.s32 v1, v4;
	_ =	sdelay $0x1  }
0x94: {  	v3 =	vadd.s32 v1, v3;
	_ =	sdelay $0x2  }
0x95: {  	[tilespmem:s16], [sflag:$0x2] =	stream.indirect_vreg.gather [hbm4b:s1+s3], $0x80, v4, vm0, $0xb8;
	[tilespmem:$0x10100] =	vst v63  }
0x96: {  	_ = 	snop  }
0x97: {  	[tilespmem:s17], [sflag:$0x2] =	stream.indirect_vreg.gather [hbm4b:s1+s3], $0x80, v3, vm0, $0xb8;
	[tilespmem:$0x10100] =	vst v63  }
0x98: {  	v3 =	vld [tilespmem:$0xB0];
	_ =	sdelay $0x4  }
0x99: {  	v59 =	vshll.u32 v3, $0x1  }
0x9a: {  	v3 =	vand.u32 $0x7, v3;
	v4 =	vand.u32 $0xFFFFFFF0, v59  }
0x9b: {  	v3 =	vor.u32 v3, v4  }
0x9c: {  	v4 =	vperm.xlane v3, v0;
	_ =	sdelay $0x1  }
0x9d: {  	v3 =	vperm.xlane v3, v2;
	v4 =	vadd.s32 v1, v4;
	_ =	sdelay $0x1  }
0x9e: {  	v3 =	vadd.s32 v1, v3;
	_ =	sdelay $0x2  }
0x9f: {  	[tilespmem:s18], [sflag:$0x2] =	stream.indirect_vreg.gather [hbm4b:s1+s3], $0x80, v4, vm0, $0xb8;
	[tilespmem:$0x10100] =	vst v63  }
0xa0: {  	_ = 	snop  }
0xa1: {  	[tilespmem:s19], [sflag:$0x2] =	stream.indirect_vreg.gather [hbm4b:s1+s3], $0x80, v3, vm0, $0xb8;
	[tilespmem:$0x10100] =	vst v63  }
0xa2: {  	v3 =	vld [tilespmem:$0xC0];
	_ =	sdelay $0x4  }
0xa3: {  	v60 =	vshll.u32 v3, $0x1  }
0xa4: {  	v3 =	vand.u32 $0x7, v3;
	v4 =	vand.u32 $0xFFFFFFF0, v60  }
0xa5: {  	v3 =	vor.u32 v3, v4  }
0xa6: {  	v4 =	vperm.xlane v3, v0;
	_ =	sdelay $0x1  }
0xa7: {  	v3 =	vperm.xlane v3, v2;
	v4 =	vadd.s32 v1, v4;
	_ =	sdelay $0x1  }
0xa8: {  	v3 =	vadd.s32 v1, v3;
	_ =	sdelay $0x2  }
0xa9: {  	[tilespmem:s20], [sflag:$0x2] =	stream.indirect_vreg.gather [hbm4b:s1+s3], $0x80, v4, vm0, $0xb8;
	[tilespmem:$0x10100] =	vst v63  }
0xaa: {  	_ = 	snop  }
0xab: {  	[tilespmem:s21], [sflag:$0x2] =	stream.indirect_vreg.gather [hbm4b:s1+s3], $0x80, v3, vm0, $0xb8;
	[tilespmem:$0x10100] =	vst v63  }
0xac: {  	v3 =	vld [tilespmem:$0xD0];
	_ =	sdelay $0x4  }
0xad: {  	v61 =	vshll.u32 v3, $0x1  }
0xae: {  	v3 =	vand.u32 $0x7, v3;
	v4 =	vand.u32 $0xFFFFFFF0, v61  }
0xaf: {  	v3 =	vor.u32 v3, v4  }
0xb0: {  	v4 =	vperm.xlane v3, v0;
	_ =	sdelay $0x1  }
0xb1: {  	v3 =	vperm.xlane v3, v2;
	v4 =	vadd.s32 v1, v4;
	_ =	sdelay $0x1  }
0xb2: {  	v3 =	vadd.s32 v1, v3;
	_ =	sdelay $0x2  }
0xb3: {  	[tilespmem:s22], [sflag:$0x2] =	stream.indirect_vreg.gather [hbm4b:s1+s3], $0x80, v4, vm0, $0xb8;
	[tilespmem:$0x10100] =	vst v63  }
0xb4: {  	_ = 	snop  }
0xb5: {  	[tilespmem:s23], [sflag:$0x2] =	stream.indirect_vreg.gather [hbm4b:s1+s3], $0x80, v3, vm0, $0xb8;
	[tilespmem:$0x10100] =	vst v63  }
0xb6: {  	v3 =	vld [tilespmem:$0xE0];
	_ =	sdelay $0x4  }
0xb7: {  	v62 =	vshll.u32 v3, $0x1  }
0xb8: {  	v3 =	vand.u32 $0x7, v3;
	v4 =	vand.u32 $0xFFFFFFF0, v62  }
0xb9: {  	v3 =	vor.u32 v3, v4  }
0xba: {  	v4 =	vperm.xlane v3, v0;
	_ =	sdelay $0x1  }
0xbb: {  	v3 =	vperm.xlane v3, v2;
	v4 =	vadd.s32 v1, v4;
	_ =	sdelay $0x1  }
0xbc: {  	v3 =	vadd.s32 v1, v3;
	_ =	sdelay $0x2  }
0xbd: {  	[tilespmem:s24], [sflag:$0x2] =	stream.indirect_vreg.gather [hbm4b:s1+s3], $0x80, v4, vm0, $0xb8;
	[tilespmem:$0x10100] =	vst v63  }
0xbe: {  	_ = 	snop  }
0xbf: {  	[tilespmem:s25], [sflag:$0x2] =	stream.indirect_vreg.gather [hbm4b:s1+s3], $0x80, v3, vm0, $0xb8;
	[tilespmem:$0x10100] =	vst v63  }
0xc0: {  	v3 =	vld [tilespmem:$0xF0];
	_ =	sdelay $0x4  }
0xc1: {  	v63 =	vshll.u32 v3, $0x1  }
0xc2: {  	v3 =	vand.u32 $0x7, v3;
	v4 =	vand.u32 $0xFFFFFFF0, v63  }
0xc3: {  	v3 =	vor.u32 v3, v4  }
0xc4: {  	v4 =	vperm.xlane v3, v0;
	_ =	sdelay $0x1  }
0xc5: {  	v3 =	vperm.xlane v3, v2;
	v4 =	vadd.s32 v1, v4;
	_ =	sdelay $0x1  }
0xc6: {  	v3 =	vadd.s32 v1, v3;
	_ =	sdelay $0x2  }
0xc7: {  	[tilespmem:s26], [sflag:$0x2] =	stream.indirect_vreg.gather [hbm4b:s1+s3], $0x80, v4, vm0, $0xb8;
	[tilespmem:$0x10100] =	vst v63  }
0xc8: {  	_ = 	snop  }
0xc9: {  	[tilespmem:s28], [sflag:$0x2] =	stream.indirect_vreg.gather [hbm4b:s1+s3], $0x80, v3, vm0, $0xb8;
	[tilespmem:$0x10100] =	vst v63  }
0xca: {  	_ =	swait.ge [sflag:s29], $0x8000  }
0xcb: {  	[sflag:s29] =	ssyncset.done $0x0  }
0xcc: {  	s7 =	rddreg [dreg:$0x6];
	[sflag:s29] =	ssyncadd.s32 $0xFFFF8000  }
0xcd: {  	[hbm4b:s7+s3] =	stream.linear.scatter [tilespmem:s6], [sflag:$0x3], $0x8000, $0x38;
	[tilespmem:$0x10100] =	vst v63  }
0xce: {  	_ =	swait.ge [sflag:s30], $0x8000  }
0xcf: {  	[sflag:s30] =	ssyncset.done $0x0  }
0xd0: {  	s7 =	rddreg [dreg:$0x7];
	[sflag:s30] =	ssyncadd.s32 $0xFFFF8000  }
0xd1: {  	[hbm4b:s7+s3] =	stream.linear.scatter [tilespmem:s12], [sflag:$0x4], $0x8000, $0x38;
	[tilespmem:$0x10100] =	vst v63  }
0xd2: {  	p0 =	sne.s32 s4, $0x1;
	_ =	swait.ge [sflag:s31], $0x8000  }
.Ltmp0:
0xd3: {  	[sflag:s31] =	ssyncset.done $0x0;
	(pc) =	sbr.rel @p0 .LBB2_1-.Ltmp0, $4  }
0xd4: {  	[sflag:s31] =	ssyncadd.s32 $0xFFFF8000  }
0xd5: {  	_ =	swait.ge [sflag:s2], $0x8000  }
0xd6: {  	[sflag:s2] =	ssyncset.done $0x0  }
0xd7: {  	s4 =	sadd.s32 $0xFFFFFFFF, s4;
	[sflag:s2] =	ssyncadd.s32 $0xFFFF8000  }
0xd8: {  	_ =	sfence.sel $0x180000  }
0xd9: {  	[bflag:$0x0] =	sbarrier.arrive $0xFFFF  }
0xda: {  	_ =	strace $0x90000047  }
0xdb: {  	s0 =	stileid.u32;
	[bflag:$0x2] =	sbarrier.arrive $0xFFFF  }
0xdc: {  	p0 =	sne.s32 s0, $0x0;
	s0 =	rddreg [dreg:$0x3]  }
0xdd: {  	s0 =	sadd.s32 @!p0 $0x100000, s0  }
0xde: {  	[sflag:s0] =	ssyncadd.tile.s32 @!p0 $0x1;
	_ =	shalt  }
.Lfunc_end2:
_tile_overlayer_lowered:
.L_overlay_start_2:
0xdf: {  	(tag) =	ssettag $0x2  }
0xe0: {  	s0 =	rddreg [dreg:$0x0];
	s2 =	stileid.u32  }
0xe1: {  	s1 =	rddreg [dreg:$0x1];
	p0 =	sne.s32 s2, $0x0  }
0xe2: {  	s3 =	rddreg [dreg:$0x2];
	[bflag:$0x3] =	sbarrier.arrive $0xFFFF;
	s2 =	simm.s32 @!p0 $0x1C05  }
0xe3: {  	[timem:s3], [sflag:s2] =	dma.local @!p0 [hbm:s0], s1  }
0xe4: {  	s0 =	simm.s32 @!p0 $0x5  }
0xe5: {  	_ =	swait.ge @!p0 [sflag:s0], s1  }
0xe6: {  	s1 =	ssub.s32 @!p0 $0x0, s1;
	[sflag:s0] =	ssyncset.done @!p0 $0x0  }
0xe7: {  	[sflag:s0] =	ssyncadd.s32 @!p0 s1  }
0xe8: {  	[bflag:$0x3] =	sbarrier.arrive $0xFFFF  }
0xe9: {  	_ =	shalt  }

</sc_bundles>
